<compile_context>
chip_gen: v7x
topology: tpu7x:2x2x1
jax: 0.10.2.dev20260603
libtpu: 0.0.44.dev20260713+nightly
codegen_flags: <defaults>
</compile_context>

<pallas_src>
import functools

import jax
import jax.numpy as jnp
from jax.experimental import pallas as pl
from jax.experimental.pallas import tpu as pltpu
from jax.experimental.pallas import tpu_sc as plsc

B = 16384
UD = 320
SD = 64
NC, NS = 2, 16
NW = NC * NS
B_PER_W = B // NW
CHUNK = 64
N_CHUNKS = B_PER_W // CHUNK
TCHUNK = 128
N_TCHUNKS = B_PER_W // TCHUNK
N_SIDE = 4
_MESH = plsc.VectorSubcoreMesh(core_axis_name="c", subcore_axis_name="s")


def _sc_main(uidx2, gaidx2, ozidx2, user_table, pair_table):

    @functools.partial(
        pl.kernel,
        out_type=(
            jax.ShapeDtypeStruct((B, 256), jnp.float32),
            jax.ShapeDtypeStruct((B, 128), jnp.float32),
            jax.ShapeDtypeStruct((B, 128), jnp.float32),
        ),
        mesh=_MESH,
        scratch_types=[
            pltpu.VMEM((N_CHUNKS, CHUNK), jnp.int32),
            pltpu.VMEM((N_CHUNKS, CHUNK), jnp.int32),
            pltpu.VMEM((N_CHUNKS, CHUNK), jnp.int32),
            pltpu.VMEM((CHUNK, 256), jnp.float32),
            pltpu.VMEM((CHUNK, 256), jnp.float32),
            pltpu.VMEM((CHUNK, 128), jnp.float32),
            pltpu.VMEM((CHUNK, 128), jnp.float32),
            pltpu.VMEM((CHUNK, 128), jnp.float32),
            pltpu.VMEM((CHUNK, 128), jnp.float32),
            pltpu.SemaphoreType.DMA,
            pltpu.SemaphoreType.DMA,
        ],
    )
    def k(uidx_hbm, gaidx_hbm, ozidx_hbm, user_hbm, pair_hbm,
          out_u, out_ga, out_oz,
          uidx_v, gaidx_v, ozidx_v, u0_v, u1_v, ga0_v, ga1_v, oz0_v, oz1_v,
          gsem, osem):
        wid = jax.lax.axis_index("s") * NC + jax.lax.axis_index("c")
        base = wid * B_PER_W
        rows_w = pl.ds(wid * N_CHUNKS, N_CHUNKS)
        pltpu.sync_copy(uidx_hbm.at[rows_w, :], uidx_v)
        pltpu.sync_copy(gaidx_hbm.at[rows_w, :], gaidx_v)
        pltpu.sync_copy(ozidx_hbm.at[rows_w, :], ozidx_v)
        ubufs = [u0_v, u1_v]
        gabufs = [ga0_v, ga1_v]
        ozbufs = [oz0_v, oz1_v]
        gets = [None, None]
        puts = [None, None]
        for c in range(N_CHUNKS):
            cur = c % 2
            if puts[cur] is not None:
                for cp in puts[cur]:
                    cp.wait()
            gets[cur] = [
                pltpu.async_copy(user_hbm.at[uidx_v.at[c], pl.ds(0, 256)],
                                 ubufs[cur], gsem),
                pltpu.async_copy(pair_hbm.at[gaidx_v.at[c]], gabufs[cur],
                                 gsem),
                pltpu.async_copy(pair_hbm.at[ozidx_v.at[c]], ozbufs[cur],
                                 gsem),
            ]
            if c == 0:
                continue
            prev = (c - 1) % 2
            for cp in gets[prev]:
                cp.wait()
            rows = pl.ds(base + (c - 1) * CHUNK, CHUNK)
            puts[prev] = [
                pltpu.async_copy(ubufs[prev], out_u.at[rows, :], osem),
                pltpu.async_copy(gabufs[prev], out_ga.at[rows, :], osem),
                pltpu.async_copy(ozbufs[prev], out_oz.at[rows, :], osem),
            ]
        last = (N_CHUNKS - 1) % 2
        for cp in gets[last]:
            cp.wait()
        rows = pl.ds(base + (N_CHUNKS - 1) * CHUNK, CHUNK)
        pltpu.sync_copy(ubufs[last], out_u.at[rows, :])
        pltpu.sync_copy(gabufs[last], out_ga.at[rows, :])
        pltpu.sync_copy(ozbufs[last], out_oz.at[rows, :])
        if puts[1 - last] is not None:
            for cp in puts[1 - last]:
                cp.wait()

    return k(uidx2, gaidx2, ozidx2, user_table, pair_table)


def _sc_tail(uidx2t, tail_table):

    @functools.partial(
        pl.kernel,
        out_type=jax.ShapeDtypeStruct((B, 128), jnp.float32),
        mesh=_MESH,
        scratch_types=[
            pltpu.VMEM((N_TCHUNKS, TCHUNK), jnp.int32),
            pltpu.VMEM((TCHUNK, 128), jnp.float32),
            pltpu.VMEM((TCHUNK, 128), jnp.float32),
            pltpu.SemaphoreType.DMA,
            pltpu.SemaphoreType.DMA,
        ],
    )
    def k(uidx_hbm, tail_hbm, out_t, uidx_v, t0_v, t1_v, gsem, osem):
        wid = jax.lax.axis_index("s") * NC + jax.lax.axis_index("c")
        base = wid * B_PER_W
        pltpu.sync_copy(uidx_hbm.at[pl.ds(wid * N_TCHUNKS, N_TCHUNKS), :],
                        uidx_v)
        bufs = [t0_v, t1_v]
        gets = [None, None]
        puts = [None, None]
        for c in range(N_TCHUNKS):
            cur = c % 2
            if puts[cur] is not None:
                puts[cur].wait()
            gets[cur] = pltpu.async_copy(tail_hbm.at[uidx_v.at[c]], bufs[cur],
                                         gsem)
            if c == 0:
                continue
            prev = (c - 1) % 2
            gets[prev].wait()
            puts[prev] = pltpu.async_copy(
                bufs[prev],
                out_t.at[pl.ds(base + (c - 1) * TCHUNK, TCHUNK), :], osem)
        last = (N_TCHUNKS - 1) % 2
        gets[last].wait()
        pltpu.sync_copy(bufs[last],
                        out_t.at[pl.ds(base + (N_TCHUNKS - 1) * TCHUNK,
                                       TCHUNK), :])
        if puts[1 - last] is not None:
            puts[1 - last].wait()

    return k(uidx2t, tail_table)


def _tc_tail_table(user_table):
    n = user_table.shape[0]
    blk = 8192

    def body(in_ref, out_ref):
        val = in_ref[:, :SD]
        out_ref[:, :SD] = val
        out_ref[:, SD:] = jnp.zeros_like(val)

    return pl.pallas_call(
        body,
        grid=(pl.cdiv(n, blk),),
        in_specs=[pl.BlockSpec((blk, 128), lambda i: (i, 2))],
        out_specs=pl.BlockSpec((blk, 128), lambda i: (i, 0)),
        out_shape=jax.ShapeDtypeStruct((n, 128), jnp.float32),
    )(user_table)


def _tc_assemble_t(u, t, ga, oz):
    blk = 512

    def body(u_ref, t_ref, ga_ref, oz_ref, out_ref):
        out_ref[pl.ds(0, 256), :] = jnp.transpose(u_ref[...])
        out_ref[pl.ds(256, SD), :] = jnp.transpose(t_ref[:, :SD])
        out_ref[pl.ds(256 + SD, 128), :] = jnp.transpose(ga_ref[...])
        out_ref[pl.ds(256 + SD + 128, 128), :] = jnp.transpose(oz_ref[...])

    return pl.pallas_call(
        body,
        grid=(B // blk,),
        in_specs=[
            pl.BlockSpec((blk, 256), lambda i: (i, 0)),
            pl.BlockSpec((blk, 128), lambda i: (i, 0)),
            pl.BlockSpec((blk, 128), lambda i: (i, 0)),
            pl.BlockSpec((blk, 128), lambda i: (i, 0)),
        ],
        out_specs=pl.BlockSpec((576, blk), lambda i: (0, i)),
        out_shape=jax.ShapeDtypeStruct((576, B), jnp.float32),
    )(u, t, ga, oz)


def kernel(data, user_table, gender_table, age_table, occup_table, zip_table):
    idx = data[:, 0, :].astype(jnp.int32)
    uidx2 = idx[:, 0].reshape(B // CHUNK, CHUNK)
    uidx2t = idx[:, 0].reshape(B // TCHUNK, TCHUNK)

    n_ga = 2 * 7
    n_oz = 21 * 3439
    ga_tbl = jnp.concatenate(
        [jnp.repeat(gender_table, 7, axis=0), jnp.tile(age_table, (2, 1))],
        axis=1)
    oz_tbl = jnp.concatenate(
        [jnp.repeat(occup_table, 3439, axis=0),
         jnp.tile(zip_table, (21, 1))], axis=1)
    pair_table = jnp.concatenate([ga_tbl, oz_tbl], axis=0)
    gaidx2 = (idx[:, 1] * 7 + idx[:, 2]).reshape(B // CHUNK, CHUNK)
    ozidx2 = (n_ga + idx[:, 3] * 3439 + idx[:, 4]).reshape(B // CHUNK, CHUNK)

    u, ga, oz = _sc_main(uidx2, gaidx2, ozidx2, user_table, pair_table)
    tail_table = _tc_tail_table(user_table)
    t = _sc_tail(uidx2t, tail_table)
    return _tc_assemble_t(u, t, ga, oz).T

# --- scband reference (transcript-rebuilt; emitter-appended) ---
"""Pipeline reference for scband-user-rep-63883343560953 (READ-ONLY COPY).

The authoritative reference and input builder live on the scoring server;
editing this copy changes nothing except your own understanding.
"""

import jax, jax.numpy as jnp
import numpy as np

NUM_USERS = 1000000
NUM_SEX = 2
NUM_AGES = 7
NUM_OCCUPS = 21
NUM_ZIPS = 3439
EMB = 64
B = 16384


def setup_inputs(seed: int = 0) -> dict:
    key = jax.random.key(seed)
    ks = jax.random.split(key, 10)
    user = jax.random.randint(ks[0], (B,), 0, NUM_USERS + 1)
    sex = jax.random.randint(ks[1], (B,), 0, NUM_SEX)
    age = jax.random.randint(ks[2], (B,), 0, NUM_AGES)
    occ = jax.random.randint(ks[3], (B,), 0, NUM_OCCUPS)
    zipc = jax.random.randint(ks[4], (B,), 0, NUM_ZIPS)
    data = jnp.stack([user, sex, age, occ, zipc], axis=1).reshape(B, 1, 5).astype(jnp.int64)
    user_table = jax.random.normal(ks[5], (NUM_USERS + 1, EMB * 5), dtype=jnp.float32) * 0.02
    user_table = user_table.at[0].set(0.0)  # padding_idx=0
    gender_table = jax.random.normal(ks[6], (NUM_SEX, EMB), dtype=jnp.float32) * 0.02
    age_table = jax.random.normal(ks[7], (NUM_AGES, EMB), dtype=jnp.float32) * 0.02
    occup_table = jax.random.normal(ks[8], (NUM_OCCUPS, EMB), dtype=jnp.float32) * 0.02
    zip_table = jax.random.normal(ks[9], (NUM_ZIPS, EMB), dtype=jnp.float32) * 0.02
    return {
        "data": data,
        "user_table": user_table,
        "gender_table": gender_table,
        "age_table": age_table,
        "occup_table": occup_table,
        "zip_table": zip_table,
    }


def reference(data, user_table, gender_table, age_table, occup_table, zip_table):
    idx = data[:, 0, :].astype(jnp.int32)
    user_idx = idx[:, 0]
    sex_idx = idx[:, 1]
    age_idx = idx[:, 2]
    occupation_idx = idx[:, 3]
    zip_idx = idx[:, 4]
    out = jnp.concatenate(
        [
            jnp.take(user_table, user_idx, axis=0),
            jnp.take(gender_table, sex_idx, axis=0),
            jnp.take(age_table, age_idx, axis=0),
            jnp.take(occup_table, occupation_idx, axis=0),
            jnp.take(zip_table, zip_idx, axis=0),
        ],
        axis=1,
    )
    return out

if __name__ == "__main__":
    import jax
    _d = setup_inputs()
    print(jax.jit(kernel)(*tuple(_d.values())))

</pallas_src>

<mosaic_0001>
#map = affine_map<(d0, d1) -> (0, 0)>
module attributes {stable_mosaic.version = 14 : i64} {
  func.func @k(%arg0: i32, %arg1: i32, %arg2: memref<128x128xi32, #tpu.memory_space<hbm>>, %arg3: memref<1000001x128xf32, #tpu.memory_space<hbm>>, %arg4: memref<16384x128xf32, #tpu.memory_space<hbm>>, %arg5: memref<4x128xi32, #tpu.memory_space<vmem>>, %arg6: memref<128x128xf32, #tpu.memory_space<vmem>>, %arg7: memref<128x128xf32, #tpu.memory_space<vmem>>, %arg8: memref<!tpu.dma_semaphore, #tpu.memory_space<semaphore_mem>>, %arg9: memref<!tpu.dma_semaphore, #tpu.memory_space<semaphore_mem>>) attributes {dimension_semantics = [#tpu.dimension_semantics<core_parallel>, #tpu.dimension_semantics<subcore_parallel>], iteration_bounds = array<i64: 2, 16>, scalar_prefetch = 0 : i64, scratch_operands = 5 : i64, tpu.core_type = #tpu.core_type<sc_vector_subcore>, window_params = [{transform_indices = #map}, {transform_indices = #map}, {transform_indices = #map}]} {
    %mul3A = arith.constant 2 : i32
    %mul3A_0 = arith.muli %arg1, %mul3A : i32
    %add3A = arith.addi %mul3A_0, %arg0 : i32
    %mul3A_1 = arith.constant 512 : i32
    %mul3A_2 = arith.muli %add3A, %mul3A_1 : i32
    %mul3A_3 = arith.constant 4 : i32
    %mul3A_4 = arith.muli %add3A, %mul3A_3 : i32
    "tpu.region"() ({
      %run_scoped3A = tpu.sem_alloc : memref<!tpu.dma_semaphore, #tpu.memory_space<semaphore_mem>>
      %dma_start3A_91 = arith.constant 0 : i32
      %dma_start3A_92 = tpu.memref_slice %arg2[%mul3A_4, %dma_start3A_91] : memref<128x128xi32, #tpu.memory_space<hbm>> -> memref<4x128xi32, #tpu.memory_space<hbm>>
      %dma_start3A_93 = arith.constant 0 : i32
      %dma_start3A_94 = tpu.memref_slice %arg2[%mul3A_4, %dma_start3A_93] : memref<128x128xi32, #tpu.memory_space<hbm>> -> memref<4x128xi32, #tpu.memory_space<hbm>>
      tpu.enqueue_dma source(%dma_start3A_94 : memref<4x128xi32, #tpu.memory_space<hbm>>) target(%arg5 : memref<4x128xi32, #tpu.memory_space<vmem>>) target_semaphore(%run_scoped3A : memref<!tpu.dma_semaphore, #tpu.memory_space<semaphore_mem>>)
      %dma_wait3A_95 = arith.constant 0 : i32
      %dma_wait3A_96 = tpu.memref_slice %arg2[%mul3A_4, %dma_wait3A_95] : memref<128x128xi32, #tpu.memory_space<hbm>> -> memref<4x128xi32, #tpu.memory_space<hbm>>
      %dma_wait3A_97 = arith.constant 0 : i32
      %dma_wait3A_98 = tpu.memref_slice %arg2[%mul3A_4, %dma_wait3A_97] : memref<128x128xi32, #tpu.memory_space<hbm>> -> memref<4x128xi32, #tpu.memory_space<hbm>>
      tpu.wait_dma2 semaphore(%run_scoped3A : memref<!tpu.dma_semaphore, #tpu.memory_space<semaphore_mem>>) src(%dma_wait3A_98 : memref<4x128xi32, #tpu.memory_space<hbm>>) dst(%arg5 : memref<4x128xi32, #tpu.memory_space<vmem>>)
      tpu.yield
    }) : () -> ()
    %dma_start3A = arith.constant 0 : i32
    %dma_start3A_5 = arith.constant 0 : i32
    %dma_start3A_6 = tpu.memref_slice %arg5[%dma_start3A, %dma_start3A_5] : memref<4x128xi32, #tpu.memory_space<vmem>> -> memref<1x128xi32, #tpu.memory_space<vmem>>
    %dma_start3A_7 = tpu.memref_squeeze %dma_start3A_6 : memref<1x128xi32, #tpu.memory_space<vmem>> -> memref<128xi32, #tpu.memory_space<vmem>>
    %dma_start3A_8 = arith.constant 0 : i32
    %dma_start3A_9 = arith.constant 0 : i32
    %dma_start3A_10 = tpu.memref_slice %arg3[%dma_start3A_8, %dma_start3A_9] : memref<1000001x128xf32, #tpu.memory_space<hbm>> -> memref<1000001x128xf32, #tpu.memory_space<hbm>>
    tpu.enqueue_indirect_dma source(%dma_start3A_10 : memref<1000001x128xf32, #tpu.memory_space<hbm>>) target(%arg6 : memref<128x128xf32, #tpu.memory_space<vmem>>) offsets(%dma_start3A_7 : memref<128xi32, #tpu.memory_space<vmem>>) semaphore(%arg8 : memref<!tpu.dma_semaphore, #tpu.memory_space<semaphore_mem>>)
    %dma_start3A_11 = arith.constant 1 : i32
    %dma_start3A_12 = arith.constant 0 : i32
    %dma_start3A_13 = tpu.memref_slice %arg5[%dma_start3A_11, %dma_start3A_12] : memref<4x128xi32, #tpu.memory_space<vmem>> -> memref<1x128xi32, #tpu.memory_space<vmem>>
    %dma_start3A_14 = tpu.memref_squeeze %dma_start3A_13 : memref<1x128xi32, #tpu.memory_space<vmem>> -> memref<128xi32, #tpu.memory_space<vmem>>
    %dma_start3A_15 = arith.constant 0 : i32
    %dma_start3A_16 = arith.constant 0 : i32
    %dma_start3A_17 = tpu.memref_slice %arg3[%dma_start3A_15, %dma_start3A_16] : memref<1000001x128xf32, #tpu.memory_space<hbm>> -> memref<1000001x128xf32, #tpu.memory_space<hbm>>
    tpu.enqueue_indirect_dma source(%dma_start3A_17 : memref<1000001x128xf32, #tpu.memory_space<hbm>>) target(%arg7 : memref<128x128xf32, #tpu.memory_space<vmem>>) offsets(%dma_start3A_14 : memref<128xi32, #tpu.memory_space<vmem>>) semaphore(%arg8 : memref<!tpu.dma_semaphore, #tpu.memory_space<semaphore_mem>>)
    %dma_wait3A = arith.constant 0 : i32
    %dma_wait3A_18 = arith.constant 0 : i32
    %dma_wait3A_19 = tpu.memref_slice %arg5[%dma_wait3A, %dma_wait3A_18] : memref<4x128xi32, #tpu.memory_space<vmem>> -> memref<1x128xi32, #tpu.memory_space<vmem>>
    %dma_wait3A_20 = tpu.memref_squeeze %dma_wait3A_19 : memref<1x128xi32, #tpu.memory_space<vmem>> -> memref<128xi32, #tpu.memory_space<vmem>>
    %dma_wait3A_21 = arith.constant 0 : i32
    %dma_wait3A_22 = arith.constant 0 : i32
    %dma_wait3A_23 = tpu.memref_slice %arg3[%dma_wait3A_21, %dma_wait3A_22] : memref<1000001x128xf32, #tpu.memory_space<hbm>> -> memref<1000001x128xf32, #tpu.memory_space<hbm>>
    tpu.wait_indirect_dma semaphore(%arg8 : memref<!tpu.dma_semaphore, #tpu.memory_space<semaphore_mem>>) src(%dma_wait3A_23 : memref<1000001x128xf32, #tpu.memory_space<hbm>>) dst(%arg6 : memref<128x128xf32, #tpu.memory_space<vmem>>)
    %add3A_24 = arith.constant 0 : i32
    %add3A_25 = arith.addi %mul3A_2, %add3A_24 : i32
    %dma_start3A_26 = arith.constant 0 : i32
    %dma_start3A_27 = tpu.memref_slice %arg4[%add3A_25, %dma_start3A_26] : memref<16384x128xf32, #tpu.memory_space<hbm>> -> memref<128x128xf32, #tpu.memory_space<hbm>>
    %dma_start3A_28 = arith.constant 0 : i32
    %dma_start3A_29 = tpu.memref_slice %arg4[%add3A_25, %dma_start3A_28] : memref<16384x128xf32, #tpu.memory_space<hbm>> -> memref<128x128xf32, #tpu.memory_space<hbm>>
    tpu.enqueue_dma source(%arg6 : memref<128x128xf32, #tpu.memory_space<vmem>>) target(%dma_start3A_29 : memref<128x128xf32, #tpu.memory_space<hbm>>) target_semaphore(%arg9 : memref<!tpu.dma_semaphore, #tpu.memory_space<semaphore_mem>>)
    %dma_wait3A_30 = arith.constant 0 : i32
    %dma_wait3A_31 = tpu.memref_slice %arg4[%add3A_25, %dma_wait3A_30] : memref<16384x128xf32, #tpu.memory_space<hbm>> -> memref<128x128xf32, #tpu.memory_space<hbm>>
    %dma_wait3A_32 = arith.constant 0 : i32
    %dma_wait3A_33 = tpu.memref_slice %arg4[%add3A_25, %dma_wait3A_32] : memref<16384x128xf32, #tpu.memory_space<hbm>> -> memref<128x128xf32, #tpu.memory_space<hbm>>
    tpu.wait_dma2 semaphore(%arg9 : memref<!tpu.dma_semaphore, #tpu.memory_space<semaphore_mem>>) src(%arg6 : memref<128x128xf32, #tpu.memory_space<vmem>>) dst(%dma_wait3A_33 : memref<128x128xf32, #tpu.memory_space<hbm>>)
    %dma_start3A_34 = arith.constant 2 : i32
    %dma_start3A_35 = arith.constant 0 : i32
    %dma_start3A_36 = tpu.memref_slice %arg5[%dma_start3A_34, %dma_start3A_35] : memref<4x128xi32, #tpu.memory_space<vmem>> -> memref<1x128xi32, #tpu.memory_space<vmem>>
    %dma_start3A_37 = tpu.memref_squeeze %dma_start3A_36 : memref<1x128xi32, #tpu.memory_space<vmem>> -> memref<128xi32, #tpu.memory_space<vmem>>
    %dma_start3A_38 = arith.constant 0 : i32
    %dma_start3A_39 = arith.constant 0 : i32
    %dma_start3A_40 = tpu.memref_slice %arg3[%dma_start3A_38, %dma_start3A_39] : memref<1000001x128xf32, #tpu.memory_space<hbm>> -> memref<1000001x128xf32, #tpu.memory_space<hbm>>
    tpu.enqueue_indirect_dma source(%dma_start3A_40 : memref<1000001x128xf32, #tpu.memory_space<hbm>>) target(%arg6 : memref<128x128xf32, #tpu.memory_space<vmem>>) offsets(%dma_start3A_37 : memref<128xi32, #tpu.memory_space<vmem>>) semaphore(%arg8 : memref<!tpu.dma_semaphore, #tpu.memory_space<semaphore_mem>>)
    %dma_wait3A_41 = arith.constant 1 : i32
    %dma_wait3A_42 = arith.constant 0 : i32
    %dma_wait3A_43 = tpu.memref_slice %arg5[%dma_wait3A_41, %dma_wait3A_42] : memref<4x128xi32, #tpu.memory_space<vmem>> -> memref<1x128xi32, #tpu.memory_space<vmem>>
    %dma_wait3A_44 = tpu.memref_squeeze %dma_wait3A_43 : memref<1x128xi32, #tpu.memory_space<vmem>> -> memref<128xi32, #tpu.memory_space<vmem>>
    %dma_wait3A_45 = arith.constant 0 : i32
    %dma_wait3A_46 = arith.constant 0 : i32
    %dma_wait3A_47 = tpu.memref_slice %arg3[%dma_wait3A_45, %dma_wait3A_46] : memref<1000001x128xf32, #tpu.memory_space<hbm>> -> memref<1000001x128xf32, #tpu.memory_space<hbm>>
    tpu.wait_indirect_dma semaphore(%arg8 : memref<!tpu.dma_semaphore, #tpu.memory_space<semaphore_mem>>) src(%dma_wait3A_47 : memref<1000001x128xf32, #tpu.memory_space<hbm>>) dst(%arg7 : memref<128x128xf32, #tpu.memory_space<vmem>>)
    %add3A_48 = arith.constant 128 : i32
    %add3A_49 = arith.addi %mul3A_2, %add3A_48 : i32
    %dma_start3A_50 = arith.constant 0 : i32
    %dma_start3A_51 = tpu.memref_slice %arg4[%add3A_49, %dma_start3A_50] : memref<16384x128xf32, #tpu.memory_space<hbm>> -> memref<128x128xf32, #tpu.memory_space<hbm>>
    %dma_start3A_52 = arith.constant 0 : i32
    %dma_start3A_53 = tpu.memref_slice %arg4[%add3A_49, %dma_start3A_52] : memref<16384x128xf32, #tpu.memory_space<hbm>> -> memref<128x128xf32, #tpu.memory_space<hbm>>
    tpu.enqueue_dma source(%arg7 : memref<128x128xf32, #tpu.memory_space<vmem>>) target(%dma_start3A_53 : memref<128x128xf32, #tpu.memory_space<hbm>>) target_semaphore(%arg9 : memref<!tpu.dma_semaphore, #tpu.memory_space<semaphore_mem>>)
    %dma_wait3A_54 = arith.constant 0 : i32
    %dma_wait3A_55 = tpu.memref_slice %arg4[%add3A_49, %dma_wait3A_54] : memref<16384x128xf32, #tpu.memory_space<hbm>> -> memref<128x128xf32, #tpu.memory_space<hbm>>
    %dma_wait3A_56 = arith.constant 0 : i32
    %dma_wait3A_57 = tpu.memref_slice %arg4[%add3A_49, %dma_wait3A_56] : memref<16384x128xf32, #tpu.memory_space<hbm>> -> memref<128x128xf32, #tpu.memory_space<hbm>>
    tpu.wait_dma2 semaphore(%arg9 : memref<!tpu.dma_semaphore, #tpu.memory_space<semaphore_mem>>) src(%arg7 : memref<128x128xf32, #tpu.memory_space<vmem>>) dst(%dma_wait3A_57 : memref<128x128xf32, #tpu.memory_space<hbm>>)
    %dma_start3A_58 = arith.constant 3 : i32
    %dma_start3A_59 = arith.constant 0 : i32
    %dma_start3A_60 = tpu.memref_slice %arg5[%dma_start3A_58, %dma_start3A_59] : memref<4x128xi32, #tpu.memory_space<vmem>> -> memref<1x128xi32, #tpu.memory_space<vmem>>
    %dma_start3A_61 = tpu.memref_squeeze %dma_start3A_60 : memref<1x128xi32, #tpu.memory_space<vmem>> -> memref<128xi32, #tpu.memory_space<vmem>>
    %dma_start3A_62 = arith.constant 0 : i32
    %dma_start3A_63 = arith.constant 0 : i32
    %dma_start3A_64 = tpu.memref_slice %arg3[%dma_start3A_62, %dma_start3A_63] : memref<1000001x128xf32, #tpu.memory_space<hbm>> -> memref<1000001x128xf32, #tpu.memory_space<hbm>>
    tpu.enqueue_indirect_dma source(%dma_start3A_64 : memref<1000001x128xf32, #tpu.memory_space<hbm>>) target(%arg7 : memref<128x128xf32, #tpu.memory_space<vmem>>) offsets(%dma_start3A_61 : memref<128xi32, #tpu.memory_space<vmem>>) semaphore(%arg8 : memref<!tpu.dma_semaphore, #tpu.memory_space<semaphore_mem>>)
    %dma_wait3A_65 = arith.constant 2 : i32
    %dma_wait3A_66 = arith.constant 0 : i32
    %dma_wait3A_67 = tpu.memref_slice %arg5[%dma_wait3A_65, %dma_wait3A_66] : memref<4x128xi32, #tpu.memory_space<vmem>> -> memref<1x128xi32, #tpu.memory_space<vmem>>
    %dma_wait3A_68 = tpu.memref_squeeze %dma_wait3A_67 : memref<1x128xi32, #tpu.memory_space<vmem>> -> memref<128xi32, #tpu.memory_space<vmem>>
    %dma_wait3A_69 = arith.constant 0 : i32
    %dma_wait3A_70 = arith.constant 0 : i32
    %dma_wait3A_71 = tpu.memref_slice %arg3[%dma_wait3A_69, %dma_wait3A_70] : memref<1000001x128xf32, #tpu.memory_space<hbm>> -> memref<1000001x128xf32, #tpu.memory_space<hbm>>
    tpu.wait_indirect_dma semaphore(%arg8 : memref<!tpu.dma_semaphore, #tpu.memory_space<semaphore_mem>>) src(%dma_wait3A_71 : memref<1000001x128xf32, #tpu.memory_space<hbm>>) dst(%arg6 : memref<128x128xf32, #tpu.memory_space<vmem>>)
    %add3A_72 = arith.constant 256 : i32
    %add3A_73 = arith.addi %mul3A_2, %add3A_72 : i32
    %dma_start3A_74 = arith.constant 0 : i32
    %dma_start3A_75 = tpu.memref_slice %arg4[%add3A_73, %dma_start3A_74] : memref<16384x128xf32, #tpu.memory_space<hbm>> -> memref<128x128xf32, #tpu.memory_space<hbm>>
    %dma_start3A_76 = arith.constant 0 : i32
    %dma_start3A_77 = tpu.memref_slice %arg4[%add3A_73, %dma_start3A_76] : memref<16384x128xf32, #tpu.memory_space<hbm>> -> memref<128x128xf32, #tpu.memory_space<hbm>>
    tpu.enqueue_dma source(%arg6 : memref<128x128xf32, #tpu.memory_space<vmem>>) target(%dma_start3A_77 : memref<128x128xf32, #tpu.memory_space<hbm>>) target_semaphore(%arg9 : memref<!tpu.dma_semaphore, #tpu.memory_space<semaphore_mem>>)
    %dma_wait3A_78 = arith.constant 3 : i32
    %dma_wait3A_79 = arith.constant 0 : i32
    %dma_wait3A_80 = tpu.memref_slice %arg5[%dma_wait3A_78, %dma_wait3A_79] : memref<4x128xi32, #tpu.memory_space<vmem>> -> memref<1x128xi32, #tpu.memory_space<vmem>>
    %dma_wait3A_81 = tpu.memref_squeeze %dma_wait3A_80 : memref<1x128xi32, #tpu.memory_space<vmem>> -> memref<128xi32, #tpu.memory_space<vmem>>
    %dma_wait3A_82 = arith.constant 0 : i32
    %dma_wait3A_83 = arith.constant 0 : i32
    %dma_wait3A_84 = tpu.memref_slice %arg3[%dma_wait3A_82, %dma_wait3A_83] : memref<1000001x128xf32, #tpu.memory_space<hbm>> -> memref<1000001x128xf32, #tpu.memory_space<hbm>>
    tpu.wait_indirect_dma semaphore(%arg8 : memref<!tpu.dma_semaphore, #tpu.memory_space<semaphore_mem>>) src(%dma_wait3A_84 : memref<1000001x128xf32, #tpu.memory_space<hbm>>) dst(%arg7 : memref<128x128xf32, #tpu.memory_space<vmem>>)
    %add3A_85 = arith.constant 384 : i32
    %add3A_86 = arith.addi %mul3A_2, %add3A_85 : i32
    "tpu.region"() ({
      %run_scoped3A = tpu.sem_alloc : memref<!tpu.dma_semaphore, #tpu.memory_space<semaphore_mem>>
      %dma_start3A_91 = arith.constant 0 : i32
      %dma_start3A_92 = tpu.memref_slice %arg4[%add3A_86, %dma_start3A_91] : memref<16384x128xf32, #tpu.memory_space<hbm>> -> memref<128x128xf32, #tpu.memory_space<hbm>>
      %dma_start3A_93 = arith.constant 0 : i32
      %dma_start3A_94 = tpu.memref_slice %arg4[%add3A_86, %dma_start3A_93] : memref<16384x128xf32, #tpu.memory_space<hbm>> -> memref<128x128xf32, #tpu.memory_space<hbm>>
      tpu.enqueue_dma source(%arg7 : memref<128x128xf32, #tpu.memory_space<vmem>>) target(%dma_start3A_94 : memref<128x128xf32, #tpu.memory_space<hbm>>) target_semaphore(%run_scoped3A : memref<!tpu.dma_semaphore, #tpu.memory_space<semaphore_mem>>)
      %dma_wait3A_95 = arith.constant 0 : i32
      %dma_wait3A_96 = tpu.memref_slice %arg4[%add3A_86, %dma_wait3A_95] : memref<16384x128xf32, #tpu.memory_space<hbm>> -> memref<128x128xf32, #tpu.memory_space<hbm>>
      %dma_wait3A_97 = arith.constant 0 : i32
      %dma_wait3A_98 = tpu.memref_slice %arg4[%add3A_86, %dma_wait3A_97] : memref<16384x128xf32, #tpu.memory_space<hbm>> -> memref<128x128xf32, #tpu.memory_space<hbm>>
      tpu.wait_dma2 semaphore(%run_scoped3A : memref<!tpu.dma_semaphore, #tpu.memory_space<semaphore_mem>>) src(%arg7 : memref<128x128xf32, #tpu.memory_space<vmem>>) dst(%dma_wait3A_98 : memref<128x128xf32, #tpu.memory_space<hbm>>)
      tpu.yield
    }) : () -> ()
    %dma_wait3A_87 = arith.constant 0 : i32
    %dma_wait3A_88 = tpu.memref_slice %arg4[%add3A_73, %dma_wait3A_87] : memref<16384x128xf32, #tpu.memory_space<hbm>> -> memref<128x128xf32, #tpu.memory_space<hbm>>
    %dma_wait3A_89 = arith.constant 0 : i32
    %dma_wait3A_90 = tpu.memref_slice %arg4[%add3A_73, %dma_wait3A_89] : memref<16384x128xf32, #tpu.memory_space<hbm>> -> memref<128x128xf32, #tpu.memory_space<hbm>>
    tpu.wait_dma2 semaphore(%arg9 : memref<!tpu.dma_semaphore, #tpu.memory_space<semaphore_mem>>) src(%arg6 : memref<128x128xf32, #tpu.memory_space<vmem>>) dst(%dma_wait3A_90 : memref<128x128xf32, #tpu.memory_space<hbm>>)
    return
  }
}

#map = affine_map<(d0, d1) -> (0, 0)>
module attributes {stable_mosaic.version = 14 : i64} {
  func.func @k(%arg0: i32, %arg1: i32, %arg2: memref<256x64xi32, #tpu.memory_space<hbm>>, %arg3: memref<256x64xi32, #tpu.memory_space<hbm>>, %arg4: memref<256x64xi32, #tpu.memory_space<hbm>>, %arg5: memref<1000001x320xf32, #tpu.memory_space<hbm>>, %arg6: memref<72233x128xf32, #tpu.memory_space<hbm>>, %arg7: memref<16384x256xf32, #tpu.memory_space<hbm>>, %arg8: memref<16384x128xf32, #tpu.memory_space<hbm>>, %arg9: memref<16384x128xf32, #tpu.memory_space<hbm>>, %arg10: memref<8x64xi32, #tpu.memory_space<vmem>>, %arg11: memref<8x64xi32, #tpu.memory_space<vmem>>, %arg12: memref<8x64xi32, #tpu.memory_space<vmem>>, %arg13: memref<64x256xf32, #tpu.memory_space<vmem>>, %arg14: memref<64x256xf32, #tpu.memory_space<vmem>>, %arg15: memref<64x128xf32, #tpu.memory_space<vmem>>, %arg16: memref<64x128xf32, #tpu.memory_space<vmem>>, %arg17: memref<64x128xf32, #tpu.memory_space<vmem>>, %arg18: memref<64x128xf32, #tpu.memory_space<vmem>>, %arg19: memref<!tpu.dma_semaphore, #tpu.memory_space<semaphore_mem>>, %arg20: memref<!tpu.dma_semaphore, #tpu.memory_space<semaphore_mem>>) attributes {dimension_semantics = [#tpu.dimension_semantics<core_parallel>, #tpu.dimension_semantics<subcore_parallel>], iteration_bounds = array<i64: 2, 16>, scalar_prefetch = 0 : i64, scratch_operands = 11 : i64, tpu.core_type = #tpu.core_type<sc_vector_subcore>, window_params = [{transform_indices = #map}, {transform_indices = #map}, {transform_indices = #map}, {transform_indices = #map}, {transform_indices = #map}, {transform_indices = #map}, {transform_indices = #map}, {transform_indices = #map}]} {
    %mul3A = arith.constant 2 : i32
    %mul3A_0 = arith.muli %arg1, %mul3A : i32
    %add3A = arith.addi %mul3A_0, %arg0 : i32
    %mul3A_1 = arith.constant 512 : i32
    %mul3A_2 = arith.muli %add3A, %mul3A_1 : i32
    %mul3A_3 = arith.constant 8 : i32
    %mul3A_4 = arith.muli %add3A, %mul3A_3 : i32
    "tpu.region"() ({
      %run_scoped3A = tpu.sem_alloc : memref<!tpu.dma_semaphore, #tpu.memory_space<semaphore_mem>>
      %dma_start3A_523 = arith.constant 0 : i32
      %dma_start3A_524 = tpu.memref_slice %arg2[%mul3A_4, %dma_start3A_523] : memref<256x64xi32, #tpu.memory_space<hbm>> -> memref<8x64xi32, #tpu.memory_space<hbm>>
      %dma_start3A_525 = arith.constant 0 : i32
      %dma_start3A_526 = tpu.memref_slice %arg2[%mul3A_4, %dma_start3A_525] : memref<256x64xi32, #tpu.memory_space<hbm>> -> memref<8x64xi32, #tpu.memory_space<hbm>>
      tpu.enqueue_dma source(%dma_start3A_526 : memref<8x64xi32, #tpu.memory_space<hbm>>) target(%arg10 : memref<8x64xi32, #tpu.memory_space<vmem>>) target_semaphore(%run_scoped3A : memref<!tpu.dma_semaphore, #tpu.memory_space<semaphore_mem>>)
      %dma_wait3A_527 = arith.constant 0 : i32
      %dma_wait3A_528 = tpu.memref_slice %arg2[%mul3A_4, %dma_wait3A_527] : memref<256x64xi32, #tpu.memory_space<hbm>> -> memref<8x64xi32, #tpu.memory_space<hbm>>
      %dma_wait3A_529 = arith.constant 0 : i32
      %dma_wait3A_530 = tpu.memref_slice %arg2[%mul3A_4, %dma_wait3A_529] : memref<256x64xi32, #tpu.memory_space<hbm>> -> memref<8x64xi32, #tpu.memory_space<hbm>>
      tpu.wait_dma2 semaphore(%run_scoped3A : memref<!tpu.dma_semaphore, #tpu.memory_space<semaphore_mem>>) src(%dma_wait3A_530 : memref<8x64xi32, #tpu.memory_space<hbm>>) dst(%arg10 : memref<8x64xi32, #tpu.memory_space<vmem>>)
      tpu.yield
    }) : () -> ()
    "tpu.region"() ({
      %run_scoped3A = tpu.sem_alloc : memref<!tpu.dma_semaphore, #tpu.memory_space<semaphore_mem>>
      %dma_start3A_523 = arith.constant 0 : i32
      %dma_start3A_524 = tpu.memref_slice %arg3[%mul3A_4, %dma_start3A_523] : memref<256x64xi32, #tpu.memory_space<hbm>> -> memref<8x64xi32, #tpu.memory_space<hbm>>
      %dma_start3A_525 = arith.constant 0 : i32
      %dma_start3A_526 = tpu.memref_slice %arg3[%mul3A_4, %dma_start3A_525] : memref<256x64xi32, #tpu.memory_space<hbm>> -> memref<8x64xi32, #tpu.memory_space<hbm>>
      tpu.enqueue_dma source(%dma_start3A_526 : memref<8x64xi32, #tpu.memory_space<hbm>>) target(%arg11 : memref<8x64xi32, #tpu.memory_space<vmem>>) target_semaphore(%run_scoped3A : memref<!tpu.dma_semaphore, #tpu.memory_space<semaphore_mem>>)
      %dma_wait3A_527 = arith.constant 0 : i32
      %dma_wait3A_528 = tpu.memref_slice %arg3[%mul3A_4, %dma_wait3A_527] : memref<256x64xi32, #tpu.memory_space<hbm>> -> memref<8x64xi32, #tpu.memory_space<hbm>>
      %dma_wait3A_529 = arith.constant 0 : i32
      %dma_wait3A_530 = tpu.memref_slice %arg3[%mul3A_4, %dma_wait3A_529] : memref<256x64xi32, #tpu.memory_space<hbm>> -> memref<8x64xi32, #tpu.memory_space<hbm>>
      tpu.wait_dma2 semaphore(%run_scoped3A : memref<!tpu.dma_semaphore, #tpu.memory_space<semaphore_mem>>) src(%dma_wait3A_530 : memref<8x64xi32, #tpu.memory_space<hbm>>) dst(%arg11 : memref<8x64xi32, #tpu.memory_space<vmem>>)
      tpu.yield
    }) : () -> ()
    "tpu.region"() ({
      %run_scoped3A = tpu.sem_alloc : memref<!tpu.dma_semaphore, #tpu.memory_space<semaphore_mem>>
      %dma_start3A_523 = arith.constant 0 : i32
      %dma_start3A_524 = tpu.memref_slice %arg4[%mul3A_4, %dma_start3A_523] : memref<256x64xi32, #tpu.memory_space<hbm>> -> memref<8x64xi32, #tpu.memory_space<hbm>>
      %dma_start3A_525 = arith.constant 0 : i32
      %dma_start3A_526 = tpu.memref_slice %arg4[%mul3A_4, %dma_start3A_525] : memref<256x64xi32, #tpu.memory_space<hbm>> -> memref<8x64xi32, #tpu.memory_space<hbm>>
      tpu.enqueue_dma source(%dma_start3A_526 : memref<8x64xi32, #tpu.memory_space<hbm>>) target(%arg12 : memref<8x64xi32, #tpu.memory_space<vmem>>) target_semaphore(%run_scoped3A : memref<!tpu.dma_semaphore, #tpu.memory_space<semaphore_mem>>)
      %dma_wait3A_527 = arith.constant 0 : i32
      %dma_wait3A_528 = tpu.memref_slice %arg4[%mul3A_4, %dma_wait3A_527] : memref<256x64xi32, #tpu.memory_space<hbm>> -> memref<8x64xi32, #tpu.memory_space<hbm>>
      %dma_wait3A_529 = arith.constant 0 : i32
      %dma_wait3A_530 = tpu.memref_slice %arg4[%mul3A_4, %dma_wait3A_529] : memref<256x64xi32, #tpu.memory_space<hbm>> -> memref<8x64xi32, #tpu.memory_space<hbm>>
      tpu.wait_dma2 semaphore(%run_scoped3A : memref<!tpu.dma_semaphore, #tpu.memory_space<semaphore_mem>>) src(%dma_wait3A_530 : memref<8x64xi32, #tpu.memory_space<hbm>>) dst(%arg12 : memref<8x64xi32, #tpu.memory_space<vmem>>)
      tpu.yield
    }) : () -> ()
    %dma_start3A = arith.constant 0 : i32
    %dma_start3A_5 = arith.constant 0 : i32
    %dma_start3A_6 = tpu.memref_slice %arg10[%dma_start3A, %dma_start3A_5] : memref<8x64xi32, #tpu.memory_space<vmem>> -> memref<1x64xi32, #tpu.memory_space<vmem>>
    %dma_start3A_7 = tpu.memref_squeeze %dma_start3A_6 : memref<1x64xi32, #tpu.memory_space<vmem>> -> memref<64xi32, #tpu.memory_space<vmem>>
    %dma_start3A_8 = arith.constant 0 : i32
    %dma_start3A_9 = arith.constant 0 : i32
    %dma_start3A_10 = tpu.memref_slice %arg5[%dma_start3A_8, %dma_start3A_9] : memref<1000001x320xf32, #tpu.memory_space<hbm>> -> memref<1000001x256xf32, #tpu.memory_space<hbm>>
    tpu.enqueue_indirect_dma source(%dma_start3A_10 : memref<1000001x256xf32, #tpu.memory_space<hbm>>) target(%arg13 : memref<64x256xf32, #tpu.memory_space<vmem>>) offsets(%dma_start3A_7 : memref<64xi32, #tpu.memory_space<vmem>>) semaphore(%arg19 : memref<!tpu.dma_semaphore, #tpu.memory_space<semaphore_mem>>)
    %dma_start3A_11 = arith.constant 0 : i32
    %dma_start3A_12 = arith.constant 0 : i32
    %dma_start3A_13 = tpu.memref_slice %arg11[%dma_start3A_11, %dma_start3A_12] : memref<8x64xi32, #tpu.memory_space<vmem>> -> memref<1x64xi32, #tpu.memory_space<vmem>>
    %dma_start3A_14 = tpu.memref_squeeze %dma_start3A_13 : memref<1x64xi32, #tpu.memory_space<vmem>> -> memref<64xi32, #tpu.memory_space<vmem>>
    %dma_start3A_15 = arith.constant 0 : i32
    %dma_start3A_16 = arith.constant 0 : i32
    %dma_start3A_17 = tpu.memref_slice %arg6[%dma_start3A_15, %dma_start3A_16] : memref<72233x128xf32, #tpu.memory_space<hbm>> -> memref<72233x128xf32, #tpu.memory_space<hbm>>
    tpu.enqueue_indirect_dma source(%dma_start3A_17 : memref<72233x128xf32, #tpu.memory_space<hbm>>) target(%arg15 : memref<64x128xf32, #tpu.memory_space<vmem>>) offsets(%dma_start3A_14 : memref<64xi32, #tpu.memory_space<vmem>>) semaphore(%arg19 : memref<!tpu.dma_semaphore, #tpu.memory_space<semaphore_mem>>)
    %dma_start3A_18 = arith.constant 0 : i32
    %dma_start3A_19 = arith.constant 0 : i32
    %dma_start3A_20 = tpu.memref_slice %arg12[%dma_start3A_18, %dma_start3A_19] : memref<8x64xi32, #tpu.memory_space<vmem>> -> memref<1x64xi32, #tpu.memory_space<vmem>>
    %dma_start3A_21 = tpu.memref_squeeze %dma_start3A_20 : memref<1x64xi32, #tpu.memory_space<vmem>> -> memref<64xi32, #tpu.memory_space<vmem>>
    %dma_start3A_22 = arith.constant 0 : i32
    %dma_start3A_23 = arith.constant 0 : i32
    %dma_start3A_24 = tpu.memref_slice %arg6[%dma_start3A_22, %dma_start3A_23] : memref<72233x128xf32, #tpu.memory_space<hbm>> -> memref<72233x128xf32, #tpu.memory_space<hbm>>
    tpu.enqueue_indirect_dma source(%dma_start3A_24 : memref<72233x128xf32, #tpu.memory_space<hbm>>) target(%arg17 : memref<64x128xf32, #tpu.memory_space<vmem>>) offsets(%dma_start3A_21 : memref<64xi32, #tpu.memory_space<vmem>>) semaphore(%arg19 : memref<!tpu.dma_semaphore, #tpu.memory_space<semaphore_mem>>)
    %dma_start3A_25 = arith.constant 1 : i32
    %dma_start3A_26 = arith.constant 0 : i32
    %dma_start3A_27 = tpu.memref_slice %arg10[%dma_start3A_25, %dma_start3A_26] : memref<8x64xi32, #tpu.memory_space<vmem>> -> memref<1x64xi32, #tpu.memory_space<vmem>>
    %dma_start3A_28 = tpu.memref_squeeze %dma_start3A_27 : memref<1x64xi32, #tpu.memory_space<vmem>> -> memref<64xi32, #tpu.memory_space<vmem>>
    %dma_start3A_29 = arith.constant 0 : i32
    %dma_start3A_30 = arith.constant 0 : i32
    %dma_start3A_31 = tpu.memref_slice %arg5[%dma_start3A_29, %dma_start3A_30] : memref<1000001x320xf32, #tpu.memory_space<hbm>> -> memref<1000001x256xf32, #tpu.memory_space<hbm>>
    tpu.enqueue_indirect_dma source(%dma_start3A_31 : memref<1000001x256xf32, #tpu.memory_space<hbm>>) target(%arg14 : memref<64x256xf32, #tpu.memory_space<vmem>>) offsets(%dma_start3A_28 : memref<64xi32, #tpu.memory_space<vmem>>) semaphore(%arg19 : memref<!tpu.dma_semaphore, #tpu.memory_space<semaphore_mem>>)
    %dma_start3A_32 = arith.constant 1 : i32
    %dma_start3A_33 = arith.constant 0 : i32
    %dma_start3A_34 = tpu.memref_slice %arg11[%dma_start3A_32, %dma_start3A_33] : memref<8x64xi32, #tpu.memory_space<vmem>> -> memref<1x64xi32, #tpu.memory_space<vmem>>
    %dma_start3A_35 = tpu.memref_squeeze %dma_start3A_34 : memref<1x64xi32, #tpu.memory_space<vmem>> -> memref<64xi32, #tpu.memory_space<vmem>>
    %dma_start3A_36 = arith.constant 0 : i32
    %dma_start3A_37 = arith.constant 0 : i32
    %dma_start3A_38 = tpu.memref_slice %arg6[%dma_start3A_36, %dma_start3A_37] : memref<72233x128xf32, #tpu.memory_space<hbm>> -> memref<72233x128xf32, #tpu.memory_space<hbm>>
    tpu.enqueue_indirect_dma source(%dma_start3A_38 : memref<72233x128xf32, #tpu.memory_space<hbm>>) target(%arg16 : memref<64x128xf32, #tpu.memory_space<vmem>>) offsets(%dma_start3A_35 : memref<64xi32, #tpu.memory_space<vmem>>) semaphore(%arg19 : memref<!tpu.dma_semaphore, #tpu.memory_space<semaphore_mem>>)
    %dma_start3A_39 = arith.constant 1 : i32
    %dma_start3A_40 = arith.constant 0 : i32
    %dma_start3A_41 = tpu.memref_slice %arg12[%dma_start3A_39, %dma_start3A_40] : memref<8x64xi32, #tpu.memory_space<vmem>> -> memref<1x64xi32, #tpu.memory_space<vmem>>
    %dma_start3A_42 = tpu.memref_squeeze %dma_start3A_41 : memref<1x64xi32, #tpu.memory_space<vmem>> -> memref<64xi32, #tpu.memory_space<vmem>>
    %dma_start3A_43 = arith.constant 0 : i32
    %dma_start3A_44 = arith.constant 0 : i32
    %dma_start3A_45 = tpu.memref_slice %arg6[%dma_start3A_43, %dma_start3A_44] : memref<72233x128xf32, #tpu.memory_space<hbm>> -> memref<72233x128xf32, #tpu.memory_space<hbm>>
    tpu.enqueue_indirect_dma source(%dma_start3A_45 : memref<72233x128xf32, #tpu.memory_space<hbm>>) target(%arg18 : memref<64x128xf32, #tpu.memory_space<vmem>>) offsets(%dma_start3A_42 : memref<64xi32, #tpu.memory_space<vmem>>) semaphore(%arg19 : memref<!tpu.dma_semaphore, #tpu.memory_space<semaphore_mem>>)
    %dma_wait3A = arith.constant 0 : i32
    %dma_wait3A_46 = arith.constant 0 : i32
    %dma_wait3A_47 = tpu.memref_slice %arg10[%dma_wait3A, %dma_wait3A_46] : memref<8x64xi32, #tpu.memory_space<vmem>> -> memref<1x64xi32, #tpu.memory_space<vmem>>
    %dma_wait3A_48 = tpu.memref_squeeze %dma_wait3A_47 : memref<1x64xi32, #tpu.memory_space<vmem>> -> memref<64xi32, #tpu.memory_space<vmem>>
    %dma_wait3A_49 = arith.constant 0 : i32
    %dma_wait3A_50 = arith.constant 0 : i32
    %dma_wait3A_51 = tpu.memref_slice %arg5[%dma_wait3A_49, %dma_wait3A_50] : memref<1000001x320xf32, #tpu.memory_space<hbm>> -> memref<1000001x256xf32, #tpu.memory_space<hbm>>
    tpu.wait_indirect_dma semaphore(%arg19 : memref<!tpu.dma_semaphore, #tpu.memory_space<semaphore_mem>>) src(%dma_wait3A_51 : memref<1000001x256xf32, #tpu.memory_space<hbm>>) dst(%arg13 : memref<64x256xf32, #tpu.memory_space<vmem>>)
    %dma_wait3A_52 = arith.constant 0 : i32
    %dma_wait3A_53 = arith.constant 0 : i32
    %dma_wait3A_54 = tpu.memref_slice %arg11[%dma_wait3A_52, %dma_wait3A_53] : memref<8x64xi32, #tpu.memory_space<vmem>> -> memref<1x64xi32, #tpu.memory_space<vmem>>
    %dma_wait3A_55 = tpu.memref_squeeze %dma_wait3A_54 : memref<1x64xi32, #tpu.memory_space<vmem>> -> memref<64xi32, #tpu.memory_space<vmem>>
    %dma_wait3A_56 = arith.constant 0 : i32
    %dma_wait3A_57 = arith.constant 0 : i32
    %dma_wait3A_58 = tpu.memref_slice %arg6[%dma_wait3A_56, %dma_wait3A_57] : memref<72233x128xf32, #tpu.memory_space<hbm>> -> memref<72233x128xf32, #tpu.memory_space<hbm>>
    tpu.wait_indirect_dma semaphore(%arg19 : memref<!tpu.dma_semaphore, #tpu.memory_space<semaphore_mem>>) src(%dma_wait3A_58 : memref<72233x128xf32, #tpu.memory_space<hbm>>) dst(%arg15 : memref<64x128xf32, #tpu.memory_space<vmem>>)
    %dma_wait3A_59 = arith.constant 0 : i32
    %dma_wait3A_60 = arith.constant 0 : i32
    %dma_wait3A_61 = tpu.memref_slice %arg12[%dma_wait3A_59, %dma_wait3A_60] : memref<8x64xi32, #tpu.memory_space<vmem>> -> memref<1x64xi32, #tpu.memory_space<vmem>>
    %dma_wait3A_62 = tpu.memref_squeeze %dma_wait3A_61 : memref<1x64xi32, #tpu.memory_space<vmem>> -> memref<64xi32, #tpu.memory_space<vmem>>
    %dma_wait3A_63 = arith.constant 0 : i32
    %dma_wait3A_64 = arith.constant 0 : i32
    %dma_wait3A_65 = tpu.memref_slice %arg6[%dma_wait3A_63, %dma_wait3A_64] : memref<72233x128xf32, #tpu.memory_space<hbm>> -> memref<72233x128xf32, #tpu.memory_space<hbm>>
    tpu.wait_indirect_dma semaphore(%arg19 : memref<!tpu.dma_semaphore, #tpu.memory_space<semaphore_mem>>) src(%dma_wait3A_65 : memref<72233x128xf32, #tpu.memory_space<hbm>>) dst(%arg17 : memref<64x128xf32, #tpu.memory_space<vmem>>)
    %add3A_66 = arith.constant 0 : i32
    %add3A_67 = arith.addi %mul3A_2, %add3A_66 : i32
    %dma_start3A_68 = arith.constant 0 : i32
    %dma_start3A_69 = tpu.memref_slice %arg7[%add3A_67, %dma_start3A_68] : memref<16384x256xf32, #tpu.memory_space<hbm>> -> memref<64x256xf32, #tpu.memory_space<hbm>>
    %dma_start3A_70 = arith.constant 0 : i32
    %dma_start3A_71 = tpu.memref_slice %arg7[%add3A_67, %dma_start3A_70] : memref<16384x256xf32, #tpu.memory_space<hbm>> -> memref<64x256xf32, #tpu.memory_space<hbm>>
    tpu.enqueue_dma source(%arg13 : memref<64x256xf32, #tpu.memory_space<vmem>>) target(%dma_start3A_71 : memref<64x256xf32, #tpu.memory_space<hbm>>) target_semaphore(%arg20 : memref<!tpu.dma_semaphore, #tpu.memory_space<semaphore_mem>>)
    %dma_start3A_72 = arith.constant 0 : i32
    %dma_start3A_73 = tpu.memref_slice %arg8[%add3A_67, %dma_start3A_72] : memref<16384x128xf32, #tpu.memory_space<hbm>> -> memref<64x128xf32, #tpu.memory_space<hbm>>
    %dma_start3A_74 = arith.constant 0 : i32
    %dma_start3A_75 = tpu.memref_slice %arg8[%add3A_67, %dma_start3A_74] : memref<16384x128xf32, #tpu.memory_space<hbm>> -> memref<64x128xf32, #tpu.memory_space<hbm>>
    tpu.enqueue_dma source(%arg15 : memref<64x128xf32, #tpu.memory_space<vmem>>) target(%dma_start3A_75 : memref<64x128xf32, #tpu.memory_space<hbm>>) target_semaphore(%arg20 : memref<!tpu.dma_semaphore, #tpu.memory_space<semaphore_mem>>)
    %dma_start3A_76 = arith.constant 0 : i32
    %dma_start3A_77 = tpu.memref_slice %arg9[%add3A_67, %dma_start3A_76] : memref<16384x128xf32, #tpu.memory_space<hbm>> -> memref<64x128xf32, #tpu.memory_space<hbm>>
    %dma_start3A_78 = arith.constant 0 : i32
    %dma_start3A_79 = tpu.memref_slice %arg9[%add3A_67, %dma_start3A_78] : memref<16384x128xf32, #tpu.memory_space<hbm>> -> memref<64x128xf32, #tpu.memory_space<hbm>>
    tpu.enqueue_dma source(%arg17 : memref<64x128xf32, #tpu.memory_space<vmem>>) target(%dma_start3A_79 : memref<64x128xf32, #tpu.memory_space<hbm>>) target_semaphore(%arg20 : memref<!tpu.dma_semaphore, #tpu.memory_space<semaphore_mem>>)
    %dma_wait3A_80 = arith.constant 0 : i32
    %dma_wait3A_81 = tpu.memref_slice %arg7[%add3A_67, %dma_wait3A_80] : memref<16384x256xf32, #tpu.memory_space<hbm>> -> memref<64x256xf32, #tpu.memory_space<hbm>>
    %dma_wait3A_82 = arith.constant 0 : i32
    %dma_wait3A_83 = tpu.memref_slice %arg7[%add3A_67, %dma_wait3A_82] : memref<16384x256xf32, #tpu.memory_space<hbm>> -> memref<64x256xf32, #tpu.memory_space<hbm>>
    tpu.wait_dma2 semaphore(%arg20 : memref<!tpu.dma_semaphore, #tpu.memory_space<semaphore_mem>>) src(%arg13 : memref<64x256xf32, #tpu.memory_space<vmem>>) dst(%dma_wait3A_83 : memref<64x256xf32, #tpu.memory_space<hbm>>)
    %dma_wait3A_84 = arith.constant 0 : i32
    %dma_wait3A_85 = tpu.memref_slice %arg8[%add3A_67, %dma_wait3A_84] : memref<16384x128xf32, #tpu.memory_space<hbm>> -> memref<64x128xf32, #tpu.memory_space<hbm>>
    %dma_wait3A_86 = arith.constant 0 : i32
    %dma_wait3A_87 = tpu.memref_slice %arg8[%add3A_67, %dma_wait3A_86] : memref<16384x128xf32, #tpu.memory_space<hbm>> -> memref<64x128xf32, #tpu.memory_space<hbm>>
    tpu.wait_dma2 semaphore(%arg20 : memref<!tpu.dma_semaphore, #tpu.memory_space<semaphore_mem>>) src(%arg15 : memref<64x128xf32, #tpu.memory_space<vmem>>) dst(%dma_wait3A_87 : memref<64x128xf32, #tpu.memory_space<hbm>>)
    %dma_wait3A_88 = arith.constant 0 : i32
    %dma_wait3A_89 = tpu.memref_slice %arg9[%add3A_67, %dma_wait3A_88] : memref<16384x128xf32, #tpu.memory_space<hbm>> -> memref<64x128xf32, #tpu.memory_space<hbm>>
    %dma_wait3A_90 = arith.constant 0 : i32
    %dma_wait3A_91 = tpu.memref_slice %arg9[%add3A_67, %dma_wait3A_90] : memref<16384x128xf32, #tpu.memory_space<hbm>> -> memref<64x128xf32, #tpu.memory_space<hbm>>
    tpu.wait_dma2 semaphore(%arg20 : memref<!tpu.dma_semaphore, #tpu.memory_space<semaphore_mem>>) src(%arg17 : memref<64x128xf32, #tpu.memory_space<vmem>>) dst(%dma_wait3A_91 : memref<64x128xf32, #tpu.memory_space<hbm>>)
    %dma_start3A_92 = arith.constant 2 : i32
    %dma_start3A_93 = arith.constant 0 : i32
    %dma_start3A_94 = tpu.memref_slice %arg10[%dma_start3A_92, %dma_start3A_93] : memref<8x64xi32, #tpu.memory_space<vmem>> -> memref<1x64xi32, #tpu.memory_space<vmem>>
    %dma_start3A_95 = tpu.memref_squeeze %dma_start3A_94 : memref<1x64xi32, #tpu.memory_space<vmem>> -> memref<64xi32, #tpu.memory_space<vmem>>
    %dma_start3A_96 = arith.constant 0 : i32
    %dma_start3A_97 = arith.constant 0 : i32
    %dma_start3A_98 = tpu.memref_slice %arg5[%dma_start3A_96, %dma_start3A_97] : memref<1000001x320xf32, #tpu.memory_space<hbm>> -> memref<1000001x256xf32, #tpu.memory_space<hbm>>
    tpu.enqueue_indirect_dma source(%dma_start3A_98 : memref<1000001x256xf32, #tpu.memory_space<hbm>>) target(%arg13 : memref<64x256xf32, #tpu.memory_space<vmem>>) offsets(%dma_start3A_95 : memref<64xi32, #tpu.memory_space<vmem>>) semaphore(%arg19 : memref<!tpu.dma_semaphore, #tpu.memory_space<semaphore_mem>>)
    %dma_start3A_99 = arith.constant 2 : i32
    %dma_start3A_100 = arith.constant 0 : i32
    %dma_start3A_101 = tpu.memref_slice %arg11[%dma_start3A_99, %dma_start3A_100] : memref<8x64xi32, #tpu.memory_space<vmem>> -> memref<1x64xi32, #tpu.memory_space<vmem>>
    %dma_start3A_102 = tpu.memref_squeeze %dma_start3A_101 : memref<1x64xi32, #tpu.memory_space<vmem>> -> memref<64xi32, #tpu.memory_space<vmem>>
    %dma_start3A_103 = arith.constant 0 : i32
    %dma_start3A_104 = arith.constant 0 : i32
    %dma_start3A_105 = tpu.memref_slice %arg6[%dma_start3A_103, %dma_start3A_104] : memref<72233x128xf32, #tpu.memory_space<hbm>> -> memref<72233x128xf32, #tpu.memory_space<hbm>>
    tpu.enqueue_indirect_dma source(%dma_start3A_105 : memref<72233x128xf32, #tpu.memory_space<hbm>>) target(%arg15 : memref<64x128xf32, #tpu.memory_space<vmem>>) offsets(%dma_start3A_102 : memref<64xi32, #tpu.memory_space<vmem>>) semaphore(%arg19 : memref<!tpu.dma_semaphore, #tpu.memory_space<semaphore_mem>>)
    %dma_start3A_106 = arith.constant 2 : i32
    %dma_start3A_107 = arith.constant 0 : i32
    %dma_start3A_108 = tpu.memref_slice %arg12[%dma_start3A_106, %dma_start3A_107] : memref<8x64xi32, #tpu.memory_space<vmem>> -> memref<1x64xi32, #tpu.memory_space<vmem>>
    %dma_start3A_109 = tpu.memref_squeeze %dma_start3A_108 : memref<1x64xi32, #tpu.memory_space<vmem>> -> memref<64xi32, #tpu.memory_space<vmem>>
    %dma_start3A_110 = arith.constant 0 : i32
    %dma_start3A_111 = arith.constant 0 : i32
    %dma_start3A_112 = tpu.memref_slice %arg6[%dma_start3A_110, %dma_start3A_111] : memref<72233x128xf32, #tpu.memory_space<hbm>> -> memref<72233x128xf32, #tpu.memory_space<hbm>>
    tpu.enqueue_indirect_dma source(%dma_start3A_112 : memref<72233x128xf32, #tpu.memory_space<hbm>>) target(%arg17 : memref<64x128xf32, #tpu.memory_space<vmem>>) offsets(%dma_start3A_109 : memref<64xi32, #tpu.memory_space<vmem>>) semaphore(%arg19 : memref<!tpu.dma_semaphore, #tpu.memory_space<semaphore_mem>>)
    %dma_wait3A_113 = arith.constant 1 : i32
    %dma_wait3A_114 = arith.constant 0 : i32
    %dma_wait3A_115 = tpu.memref_slice %arg10[%dma_wait3A_113, %dma_wait3A_114] : memref<8x64xi32, #tpu.memory_space<vmem>> -> memref<1x64xi32, #tpu.memory_space<vmem>>
    %dma_wait3A_116 = tpu.memref_squeeze %dma_wait3A_115 : memref<1x64xi32, #tpu.memory_space<vmem>> -> memref<64xi32, #tpu.memory_space<vmem>>
    %dma_wait3A_117 = arith.constant 0 : i32
    %dma_wait3A_118 = arith.constant 0 : i32
    %dma_wait3A_119 = tpu.memref_slice %arg5[%dma_wait3A_117, %dma_wait3A_118] : memref<1000001x320xf32, #tpu.memory_space<hbm>> -> memref<1000001x256xf32, #tpu.memory_space<hbm>>
    tpu.wait_indirect_dma semaphore(%arg19 : memref<!tpu.dma_semaphore, #tpu.memory_space<semaphore_mem>>) src(%dma_wait3A_119 : memref<1000001x256xf32, #tpu.memory_space<hbm>>) dst(%arg14 : memref<64x256xf32, #tpu.memory_space<vmem>>)
    %dma_wait3A_120 = arith.constant 1 : i32
    %dma_wait3A_121 = arith.constant 0 : i32
    %dma_wait3A_122 = tpu.memref_slice %arg11[%dma_wait3A_120, %dma_wait3A_121] : memref<8x64xi32, #tpu.memory_space<vmem>> -> memref<1x64xi32, #tpu.memory_space<vmem>>
    %dma_wait3A_123 = tpu.memref_squeeze %dma_wait3A_122 : memref<1x64xi32, #tpu.memory_space<vmem>> -> memref<64xi32, #tpu.memory_space<vmem>>
    %dma_wait3A_124 = arith.constant 0 : i32
    %dma_wait3A_125 = arith.constant 0 : i32
    %dma_wait3A_126 = tpu.memref_slice %arg6[%dma_wait3A_124, %dma_wait3A_125] : memref<72233x128xf32, #tpu.memory_space<hbm>> -> memref<72233x128xf32, #tpu.memory_space<hbm>>
    tpu.wait_indirect_dma semaphore(%arg19 : memref<!tpu.dma_semaphore, #tpu.memory_space<semaphore_mem>>) src(%dma_wait3A_126 : memref<72233x128xf32, #tpu.memory_space<hbm>>) dst(%arg16 : memref<64x128xf32, #tpu.memory_space<vmem>>)
    %dma_wait3A_127 = arith.constant 1 : i32
    %dma_wait3A_128 = arith.constant 0 : i32
    %dma_wait3A_129 = tpu.memref_slice %arg12[%dma_wait3A_127, %dma_wait3A_128] : memref<8x64xi32, #tpu.memory_space<vmem>> -> memref<1x64xi32, #tpu.memory_space<vmem>>
    %dma_wait3A_130 = tpu.memref_squeeze %dma_wait3A_129 : memref<1x64xi32, #tpu.memory_space<vmem>> -> memref<64xi32, #tpu.memory_space<vmem>>
    %dma_wait3A_131 = arith.constant 0 : i32
    %dma_wait3A_132 = arith.constant 0 : i32
    %dma_wait3A_133 = tpu.memref_slice %arg6[%dma_wait3A_131, %dma_wait3A_132] : memref<72233x128xf32, #tpu.memory_space<hbm>> -> memref<72233x128xf32, #tpu.memory_space<hbm>>
    tpu.wait_indirect_dma semaphore(%arg19 : memref<!tpu.dma_semaphore, #tpu.memory_space<semaphore_mem>>) src(%dma_wait3A_133 : memref<72233x128xf32, #tpu.memory_space<hbm>>) dst(%arg18 : memref<64x128xf32, #tpu.memory_space<vmem>>)
    %add3A_134 = arith.constant 64 : i32
    %add3A_135 = arith.addi %mul3A_2, %add3A_134 : i32
    %dma_start3A_136 = arith.constant 0 : i32
    %dma_start3A_137 = tpu.memref_slice %arg7[%add3A_135, %dma_start3A_136] : memref<16384x256xf32, #tpu.memory_space<hbm>> -> memref<64x256xf32, #tpu.memory_space<hbm>>
    %dma_start3A_138 = arith.constant 0 : i32
    %dma_start3A_139 = tpu.memref_slice %arg7[%add3A_135, %dma_start3A_138] : memref<16384x256xf32, #tpu.memory_space<hbm>> -> memref<64x256xf32, #tpu.memory_space<hbm>>
    tpu.enqueue_dma source(%arg14 : memref<64x256xf32, #tpu.memory_space<vmem>>) target(%dma_start3A_139 : memref<64x256xf32, #tpu.memory_space<hbm>>) target_semaphore(%arg20 : memref<!tpu.dma_semaphore, #tpu.memory_space<semaphore_mem>>)
    %dma_start3A_140 = arith.constant 0 : i32
    %dma_start3A_141 = tpu.memref_slice %arg8[%add3A_135, %dma_start3A_140] : memref<16384x128xf32, #tpu.memory_space<hbm>> -> memref<64x128xf32, #tpu.memory_space<hbm>>
    %dma_start3A_142 = arith.constant 0 : i32
    %dma_start3A_143 = tpu.memref_slice %arg8[%add3A_135, %dma_start3A_142] : memref<16384x128xf32, #tpu.memory_space<hbm>> -> memref<64x128xf32, #tpu.memory_space<hbm>>
    tpu.enqueue_dma source(%arg16 : memref<64x128xf32, #tpu.memory_space<vmem>>) target(%dma_start3A_143 : memref<64x128xf32, #tpu.memory_space<hbm>>) target_semaphore(%arg20 : memref<!tpu.dma_semaphore, #tpu.memory_space<semaphore_mem>>)
    %dma_start3A_144 = arith.constant 0 : i32
    %dma_start3A_145 = tpu.memref_slice %arg9[%add3A_135, %dma_start3A_144] : memref<16384x128xf32, #tpu.memory_space<hbm>> -> memref<64x128xf32, #tpu.memory_space<hbm>>
    %dma_start3A_146 = arith.constant 0 : i32
    %dma_start3A_147 = tpu.memref_slice %arg9[%add3A_135, %dma_start3A_146] : memref<16384x128xf32, #tpu.memory_space<hbm>> -> memref<64x128xf32, #tpu.memory_space<hbm>>
    tpu.enqueue_dma source(%arg18 : memref<64x128xf32, #tpu.memory_space<vmem>>) target(%dma_start3A_147 : memref<64x128xf32, #tpu.memory_space<hbm>>) target_semaphore(%arg20 : memref<!tpu.dma_semaphore, #tpu.memory_space<semaphore_mem>>)
    %dma_wait3A_148 = arith.constant 0 : i32
    %dma_wait3A_149 = tpu.memref_slice %arg7[%add3A_135, %dma_wait3A_148] : memref<16384x256xf32, #tpu.memory_space<hbm>> -> memref<64x256xf32, #tpu.memory_space<hbm>>
    %dma_wait3A_150 = arith.constant 0 : i32
    %dma_wait3A_151 = tpu.memref_slice %arg7[%add3A_135, %dma_wait3A_150] : memref<16384x256xf32, #tpu.memory_space<hbm>> -> memref<64x256xf32, #tpu.memory_space<hbm>>
    tpu.wait_dma2 semaphore(%arg20 : memref<!tpu.dma_semaphore, #tpu.memory_space<semaphore_mem>>) src(%arg14 : memref<64x256xf32, #tpu.memory_space<vmem>>) dst(%dma_wait3A_151 : memref<64x256xf32, #tpu.memory_space<hbm>>)
    %dma_wait3A_152 = arith.constant 0 : i32
    %dma_wait3A_153 = tpu.memref_slice %arg8[%add3A_135, %dma_wait3A_152] : memref<16384x128xf32, #tpu.memory_space<hbm>> -> memref<64x128xf32, #tpu.memory_space<hbm>>
    %dma_wait3A_154 = arith.constant 0 : i32
    %dma_wait3A_155 = tpu.memref_slice %arg8[%add3A_135, %dma_wait3A_154] : memref<16384x128xf32, #tpu.memory_space<hbm>> -> memref<64x128xf32, #tpu.memory_space<hbm>>
    tpu.wait_dma2 semaphore(%arg20 : memref<!tpu.dma_semaphore, #tpu.memory_space<semaphore_mem>>) src(%arg16 : memref<64x128xf32, #tpu.memory_space<vmem>>) dst(%dma_wait3A_155 : memref<64x128xf32, #tpu.memory_space<hbm>>)
    %dma_wait3A_156 = arith.constant 0 : i32
    %dma_wait3A_157 = tpu.memref_slice %arg9[%add3A_135, %dma_wait3A_156] : memref<16384x128xf32, #tpu.memory_space<hbm>> -> memref<64x128xf32, #tpu.memory_space<hbm>>
    %dma_wait3A_158 = arith.constant 0 : i32
    %dma_wait3A_159 = tpu.memref_slice %arg9[%add3A_135, %dma_wait3A_158] : memref<16384x128xf32, #tpu.memory_space<hbm>> -> memref<64x128xf32, #tpu.memory_space<hbm>>
    tpu.wait_dma2 semaphore(%arg20 : memref<!tpu.dma_semaphore, #tpu.memory_space<semaphore_mem>>) src(%arg18 : memref<64x128xf32, #tpu.memory_space<vmem>>) dst(%dma_wait3A_159 : memref<64x128xf32, #tpu.memory_space<hbm>>)
    %dma_start3A_160 = arith.constant 3 : i32
    %dma_start3A_161 = arith.constant 0 : i32
    %dma_start3A_162 = tpu.memref_slice %arg10[%dma_start3A_160, %dma_start3A_161] : memref<8x64xi32, #tpu.memory_space<vmem>> -> memref<1x64xi32, #tpu.memory_space<vmem>>
    %dma_start3A_163 = tpu.memref_squeeze %dma_start3A_162 : memref<1x64xi32, #tpu.memory_space<vmem>> -> memref<64xi32, #tpu.memory_space<vmem>>
    %dma_start3A_164 = arith.constant 0 : i32
    %dma_start3A_165 = arith.constant 0 : i32
    %dma_start3A_166 = tpu.memref_slice %arg5[%dma_start3A_164, %dma_start3A_165] : memref<1000001x320xf32, #tpu.memory_space<hbm>> -> memref<1000001x256xf32, #tpu.memory_space<hbm>>
    tpu.enqueue_indirect_dma source(%dma_start3A_166 : memref<1000001x256xf32, #tpu.memory_space<hbm>>) target(%arg14 : memref<64x256xf32, #tpu.memory_space<vmem>>) offsets(%dma_start3A_163 : memref<64xi32, #tpu.memory_space<vmem>>) semaphore(%arg19 : memref<!tpu.dma_semaphore, #tpu.memory_space<semaphore_mem>>)
    %dma_start3A_167 = arith.constant 3 : i32
    %dma_start3A_168 = arith.constant 0 : i32
    %dma_start3A_169 = tpu.memref_slice %arg11[%dma_start3A_167, %dma_start3A_168] : memref<8x64xi32, #tpu.memory_space<vmem>> -> memref<1x64xi32, #tpu.memory_space<vmem>>
    %dma_start3A_170 = tpu.memref_squeeze %dma_start3A_169 : memref<1x64xi32, #tpu.memory_space<vmem>> -> memref<64xi32, #tpu.memory_space<vmem>>
    %dma_start3A_171 = arith.constant 0 : i32
    %dma_start3A_172 = arith.constant 0 : i32
    %dma_start3A_173 = tpu.memref_slice %arg6[%dma_start3A_171, %dma_start3A_172] : memref<72233x128xf32, #tpu.memory_space<hbm>> -> memref<72233x128xf32, #tpu.memory_space<hbm>>
    tpu.enqueue_indirect_dma source(%dma_start3A_173 : memref<72233x128xf32, #tpu.memory_space<hbm>>) target(%arg16 : memref<64x128xf32, #tpu.memory_space<vmem>>) offsets(%dma_start3A_170 : memref<64xi32, #tpu.memory_space<vmem>>) semaphore(%arg19 : memref<!tpu.dma_semaphore, #tpu.memory_space<semaphore_mem>>)
    %dma_start3A_174 = arith.constant 3 : i32
    %dma_start3A_175 = arith.constant 0 : i32
    %dma_start3A_176 = tpu.memref_slice %arg12[%dma_start3A_174, %dma_start3A_175] : memref<8x64xi32, #tpu.memory_space<vmem>> -> memref<1x64xi32, #tpu.memory_space<vmem>>
    %dma_start3A_177 = tpu.memref_squeeze %dma_start3A_176 : memref<1x64xi32, #tpu.memory_space<vmem>> -> memref<64xi32, #tpu.memory_space<vmem>>
    %dma_start3A_178 = arith.constant 0 : i32
    %dma_start3A_179 = arith.constant 0 : i32
    %dma_start3A_180 = tpu.memref_slice %arg6[%dma_start3A_178, %dma_start3A_179] : memref<72233x128xf32, #tpu.memory_space<hbm>> -> memref<72233x128xf32, #tpu.memory_space<hbm>>
    tpu.enqueue_indirect_dma source(%dma_start3A_180 : memref<72233x128xf32, #tpu.memory_space<hbm>>) target(%arg18 : memref<64x128xf32, #tpu.memory_space<vmem>>) offsets(%dma_start3A_177 : memref<64xi32, #tpu.memory_space<vmem>>) semaphore(%arg19 : memref<!tpu.dma_semaphore, #tpu.memory_space<semaphore_mem>>)
    %dma_wait3A_181 = arith.constant 2 : i32
    %dma_wait3A_182 = arith.constant 0 : i32
    %dma_wait3A_183 = tpu.memref_slice %arg10[%dma_wait3A_181, %dma_wait3A_182] : memref<8x64xi32, #tpu.memory_space<vmem>> -> memref<1x64xi32, #tpu.memory_space<vmem>>
    %dma_wait3A_184 = tpu.memref_squeeze %dma_wait3A_183 : memref<1x64xi32, #tpu.memory_space<vmem>> -> memref<64xi32, #tpu.memory_space<vmem>>
    %dma_wait3A_185 = arith.constant 0 : i32
    %dma_wait3A_186 = arith.constant 0 : i32
    %dma_wait3A_187 = tpu.memref_slice %arg5[%dma_wait3A_185, %dma_wait3A_186] : memref<1000001x320xf32, #tpu.memory_space<hbm>> -> memref<1000001x256xf32, #tpu.memory_space<hbm>>
    tpu.wait_indirect_dma semaphore(%arg19 : memref<!tpu.dma_semaphore, #tpu.memory_space<semaphore_mem>>) src(%dma_wait3A_187 : memref<1000001x256xf32, #tpu.memory_space<hbm>>) dst(%arg13 : memref<64x256xf32, #tpu.memory_space<vmem>>)
    %dma_wait3A_188 = arith.constant 2 : i32
    %dma_wait3A_189 = arith.constant 0 : i32
    %dma_wait3A_190 = tpu.memref_slice %arg11[%dma_wait3A_188, %dma_wait3A_189] : memref<8x64xi32, #tpu.memory_space<vmem>> -> memref<1x64xi32, #tpu.memory_space<vmem>>
    %dma_wait3A_191 = tpu.memref_squeeze %dma_wait3A_190 : memref<1x64xi32, #tpu.memory_space<vmem>> -> memref<64xi32, #tpu.memory_space<vmem>>
    %dma_wait3A_192 = arith.constant 0 : i32
    %dma_wait3A_193 = arith.constant 0 : i32
    %dma_wait3A_194 = tpu.memref_slice %arg6[%dma_wait3A_192, %dma_wait3A_193] : memref<72233x128xf32, #tpu.memory_space<hbm>> -> memref<72233x128xf32, #tpu.memory_space<hbm>>
    tpu.wait_indirect_dma semaphore(%arg19 : memref<!tpu.dma_semaphore, #tpu.memory_space<semaphore_mem>>) src(%dma_wait3A_194 : memref<72233x128xf32, #tpu.memory_space<hbm>>) dst(%arg15 : memref<64x128xf32, #tpu.memory_space<vmem>>)
    %dma_wait3A_195 = arith.constant 2 : i32
    %dma_wait3A_196 = arith.constant 0 : i32
    %dma_wait3A_197 = tpu.memref_slice %arg12[%dma_wait3A_195, %dma_wait3A_196] : memref<8x64xi32, #tpu.memory_space<vmem>> -> memref<1x64xi32, #tpu.memory_space<vmem>>
    %dma_wait3A_198 = tpu.memref_squeeze %dma_wait3A_197 : memref<1x64xi32, #tpu.memory_space<vmem>> -> memref<64xi32, #tpu.memory_space<vmem>>
    %dma_wait3A_199 = arith.constant 0 : i32
    %dma_wait3A_200 = arith.constant 0 : i32
    %dma_wait3A_201 = tpu.memref_slice %arg6[%dma_wait3A_199, %dma_wait3A_200] : memref<72233x128xf32, #tpu.memory_space<hbm>> -> memref<72233x128xf32, #tpu.memory_space<hbm>>
    tpu.wait_indirect_dma semaphore(%arg19 : memref<!tpu.dma_semaphore, #tpu.memory_space<semaphore_mem>>) src(%dma_wait3A_201 : memref<72233x128xf32, #tpu.memory_space<hbm>>) dst(%arg17 : memref<64x128xf32, #tpu.memory_space<vmem>>)
    %add3A_202 = arith.constant 128 : i32
    %add3A_203 = arith.addi %mul3A_2, %add3A_202 : i32
    %dma_start3A_204 = arith.constant 0 : i32
    %dma_start3A_205 = tpu.memref_slice %arg7[%add3A_203, %dma_start3A_204] : memref<16384x256xf32, #tpu.memory_space<hbm>> -> memref<64x256xf32, #tpu.memory_space<hbm>>
    %dma_start3A_206 = arith.constant 0 : i32
    %dma_start3A_207 = tpu.memref_slice %arg7[%add3A_203, %dma_start3A_206] : memref<16384x256xf32, #tpu.memory_space<hbm>> -> memref<64x256xf32, #tpu.memory_space<hbm>>
    tpu.enqueue_dma source(%arg13 : memref<64x256xf32, #tpu.memory_space<vmem>>) target(%dma_start3A_207 : memref<64x256xf32, #tpu.memory_space<hbm>>) target_semaphore(%arg20 : memref<!tpu.dma_semaphore, #tpu.memory_space<semaphore_mem>>)
    %dma_start3A_208 = arith.constant 0 : i32
    %dma_start3A_209 = tpu.memref_slice %arg8[%add3A_203, %dma_start3A_208] : memref<16384x128xf32, #tpu.memory_space<hbm>> -> memref<64x128xf32, #tpu.memory_space<hbm>>
    %dma_start3A_210 = arith.constant 0 : i32
    %dma_start3A_211 = tpu.memref_slice %arg8[%add3A_203, %dma_start3A_210] : memref<16384x128xf32, #tpu.memory_space<hbm>> -> memref<64x128xf32, #tpu.memory_space<hbm>>
    tpu.enqueue_dma source(%arg15 : memref<64x128xf32, #tpu.memory_space<vmem>>) target(%dma_start3A_211 : memref<64x128xf32, #tpu.memory_space<hbm>>) target_semaphore(%arg20 : memref<!tpu.dma_semaphore, #tpu.memory_space<semaphore_mem>>)
    %dma_start3A_212 = arith.constant 0 : i32
    %dma_start3A_213 = tpu.memref_slice %arg9[%add3A_203, %dma_start3A_212] : memref<16384x128xf32, #tpu.memory_space<hbm>> -> memref<64x128xf32, #tpu.memory_space<hbm>>
    %dma_start3A_214 = arith.constant 0 : i32
    %dma_start3A_215 = tpu.memref_slice %arg9[%add3A_203, %dma_start3A_214] : memref<16384x128xf32, #tpu.memory_space<hbm>> -> memref<64x128xf32, #tpu.memory_space<hbm>>
    tpu.enqueue_dma source(%arg17 : memref<64x128xf32, #tpu.memory_space<vmem>>) target(%dma_start3A_215 : memref<64x128xf32, #tpu.memory_space<hbm>>) target_semaphore(%arg20 : memref<!tpu.dma_semaphore, #tpu.memory_space<semaphore_mem>>)
    %dma_wait3A_216 = arith.constant 0 : i32
    %dma_wait3A_217 = tpu.memref_slice %arg7[%add3A_203, %dma_wait3A_216] : memref<16384x256xf32, #tpu.memory_space<hbm>> -> memref<64x256xf32, #tpu.memory_space<hbm>>
    %dma_wait3A_218 = arith.constant 0 : i32
    %dma_wait3A_219 = tpu.memref_slice %arg7[%add3A_203, %dma_wait3A_218] : memref<16384x256xf32, #tpu.memory_space<hbm>> -> memref<64x256xf32, #tpu.memory_space<hbm>>
    tpu.wait_dma2 semaphore(%arg20 : memref<!tpu.dma_semaphore, #tpu.memory_space<semaphore_mem>>) src(%arg13 : memref<64x256xf32, #tpu.memory_space<vmem>>) dst(%dma_wait3A_219 : memref<64x256xf32, #tpu.memory_space<hbm>>)
    %dma_wait3A_220 = arith.constant 0 : i32
    %dma_wait3A_221 = tpu.memref_slice %arg8[%add3A_203, %dma_wait3A_220] : memref<16384x128xf32, #tpu.memory_space<hbm>> -> memref<64x128xf32, #tpu.memory_space<hbm>>
    %dma_wait3A_222 = arith.constant 0 : i32
    %dma_wait3A_223 = tpu.memref_slice %arg8[%add3A_203, %dma_wait3A_222] : memref<16384x128xf32, #tpu.memory_space<hbm>> -> memref<64x128xf32, #tpu.memory_space<hbm>>
    tpu.wait_dma2 semaphore(%arg20 : memref<!tpu.dma_semaphore, #tpu.memory_space<semaphore_mem>>) src(%arg15 : memref<64x128xf32, #tpu.memory_space<vmem>>) dst(%dma_wait3A_223 : memref<64x128xf32, #tpu.memory_space<hbm>>)
    %dma_wait3A_224 = arith.constant 0 : i32
    %dma_wait3A_225 = tpu.memref_slice %arg9[%add3A_203, %dma_wait3A_224] : memref<16384x128xf32, #tpu.memory_space<hbm>> -> memref<64x128xf32, #tpu.memory_space<hbm>>
    %dma_wait3A_226 = arith.constant 0 : i32
    %dma_wait3A_227 = tpu.memref_slice %arg9[%add3A_203, %dma_wait3A_226] : memref<16384x128xf32, #tpu.memory_space<hbm>> -> memref<64x128xf32, #tpu.memory_space<hbm>>
    tpu.wait_dma2 semaphore(%arg20 : memref<!tpu.dma_semaphore, #tpu.memory_space<semaphore_mem>>) src(%arg17 : memref<64x128xf32, #tpu.memory_space<vmem>>) dst(%dma_wait3A_227 : memref<64x128xf32, #tpu.memory_space<hbm>>)
    %dma_start3A_228 = arith.constant 4 : i32
    %dma_start3A_229 = arith.constant 0 : i32
    %dma_start3A_230 = tpu.memref_slice %arg10[%dma_start3A_228, %dma_start3A_229] : memref<8x64xi32, #tpu.memory_space<vmem>> -> memref<1x64xi32, #tpu.memory_space<vmem>>
    %dma_start3A_231 = tpu.memref_squeeze %dma_start3A_230 : memref<1x64xi32, #tpu.memory_space<vmem>> -> memref<64xi32, #tpu.memory_space<vmem>>
    %dma_start3A_232 = arith.constant 0 : i32
    %dma_start3A_233 = arith.constant 0 : i32
    %dma_start3A_234 = tpu.memref_slice %arg5[%dma_start3A_232, %dma_start3A_233] : memref<1000001x320xf32, #tpu.memory_space<hbm>> -> memref<1000001x256xf32, #tpu.memory_space<hbm>>
    tpu.enqueue_indirect_dma source(%dma_start3A_234 : memref<1000001x256xf32, #tpu.memory_space<hbm>>) target(%arg13 : memref<64x256xf32, #tpu.memory_space<vmem>>) offsets(%dma_start3A_231 : memref<64xi32, #tpu.memory_space<vmem>>) semaphore(%arg19 : memref<!tpu.dma_semaphore, #tpu.memory_space<semaphore_mem>>)
    %dma_start3A_235 = arith.constant 4 : i32
    %dma_start3A_236 = arith.constant 0 : i32
    %dma_start3A_237 = tpu.memref_slice %arg11[%dma_start3A_235, %dma_start3A_236] : memref<8x64xi32, #tpu.memory_space<vmem>> -> memref<1x64xi32, #tpu.memory_space<vmem>>
    %dma_start3A_238 = tpu.memref_squeeze %dma_start3A_237 : memref<1x64xi32, #tpu.memory_space<vmem>> -> memref<64xi32, #tpu.memory_space<vmem>>
    %dma_start3A_239 = arith.constant 0 : i32
    %dma_start3A_240 = arith.constant 0 : i32
    %dma_start3A_241 = tpu.memref_slice %arg6[%dma_start3A_239, %dma_start3A_240] : memref<72233x128xf32, #tpu.memory_space<hbm>> -> memref<72233x128xf32, #tpu.memory_space<hbm>>
    tpu.enqueue_indirect_dma source(%dma_start3A_241 : memref<72233x128xf32, #tpu.memory_space<hbm>>) target(%arg15 : memref<64x128xf32, #tpu.memory_space<vmem>>) offsets(%dma_start3A_238 : memref<64xi32, #tpu.memory_space<vmem>>) semaphore(%arg19 : memref<!tpu.dma_semaphore, #tpu.memory_space<semaphore_mem>>)
    %dma_start3A_242 = arith.constant 4 : i32
    %dma_start3A_243 = arith.constant 0 : i32
    %dma_start3A_244 = tpu.memref_slice %arg12[%dma_start3A_242, %dma_start3A_243] : memref<8x64xi32, #tpu.memory_space<vmem>> -> memref<1x64xi32, #tpu.memory_space<vmem>>
    %dma_start3A_245 = tpu.memref_squeeze %dma_start3A_244 : memref<1x64xi32, #tpu.memory_space<vmem>> -> memref<64xi32, #tpu.memory_space<vmem>>
    %dma_start3A_246 = arith.constant 0 : i32
    %dma_start3A_247 = arith.constant 0 : i32
    %dma_start3A_248 = tpu.memref_slice %arg6[%dma_start3A_246, %dma_start3A_247] : memref<72233x128xf32, #tpu.memory_space<hbm>> -> memref<72233x128xf32, #tpu.memory_space<hbm>>
    tpu.enqueue_indirect_dma source(%dma_start3A_248 : memref<72233x128xf32, #tpu.memory_space<hbm>>) target(%arg17 : memref<64x128xf32, #tpu.memory_space<vmem>>) offsets(%dma_start3A_245 : memref<64xi32, #tpu.memory_space<vmem>>) semaphore(%arg19 : memref<!tpu.dma_semaphore, #tpu.memory_space<semaphore_mem>>)
    %dma_wait3A_249 = arith.constant 3 : i32
    %dma_wait3A_250 = arith.constant 0 : i32
    %dma_wait3A_251 = tpu.memref_slice %arg10[%dma_wait3A_249, %dma_wait3A_250] : memref<8x64xi32, #tpu.memory_space<vmem>> -> memref<1x64xi32, #tpu.memory_space<vmem>>
    %dma_wait3A_252 = tpu.memref_squeeze %dma_wait3A_251 : memref<1x64xi32, #tpu.memory_space<vmem>> -> memref<64xi32, #tpu.memory_space<vmem>>
    %dma_wait3A_253 = arith.constant 0 : i32
    %dma_wait3A_254 = arith.constant 0 : i32
    %dma_wait3A_255 = tpu.memref_slice %arg5[%dma_wait3A_253, %dma_wait3A_254] : memref<1000001x320xf32, #tpu.memory_space<hbm>> -> memref<1000001x256xf32, #tpu.memory_space<hbm>>
    tpu.wait_indirect_dma semaphore(%arg19 : memref<!tpu.dma_semaphore, #tpu.memory_space<semaphore_mem>>) src(%dma_wait3A_255 : memref<1000001x256xf32, #tpu.memory_space<hbm>>) dst(%arg14 : memref<64x256xf32, #tpu.memory_space<vmem>>)
    %dma_wait3A_256 = arith.constant 3 : i32
    %dma_wait3A_257 = arith.constant 0 : i32
    %dma_wait3A_258 = tpu.memref_slice %arg11[%dma_wait3A_256, %dma_wait3A_257] : memref<8x64xi32, #tpu.memory_space<vmem>> -> memref<1x64xi32, #tpu.memory_space<vmem>>
    %dma_wait3A_259 = tpu.memref_squeeze %dma_wait3A_258 : memref<1x64xi32, #tpu.memory_space<vmem>> -> memref<64xi32, #tpu.memory_space<vmem>>
    %dma_wait3A_260 = arith.constant 0 : i32
    %dma_wait3A_261 = arith.constant 0 : i32
    %dma_wait3A_262 = tpu.memref_slice %arg6[%dma_wait3A_260, %dma_wait3A_261] : memref<72233x128xf32, #tpu.memory_space<hbm>> -> memref<72233x128xf32, #tpu.memory_space<hbm>>
    tpu.wait_indirect_dma semaphore(%arg19 : memref<!tpu.dma_semaphore, #tpu.memory_space<semaphore_mem>>) src(%dma_wait3A_262 : memref<72233x128xf32, #tpu.memory_space<hbm>>) dst(%arg16 : memref<64x128xf32, #tpu.memory_space<vmem>>)
    %dma_wait3A_263 = arith.constant 3 : i32
    %dma_wait3A_264 = arith.constant 0 : i32
    %dma_wait3A_265 = tpu.memref_slice %arg12[%dma_wait3A_263, %dma_wait3A_264] : memref<8x64xi32, #tpu.memory_space<vmem>> -> memref<1x64xi32, #tpu.memory_space<vmem>>
    %dma_wait3A_266 = tpu.memref_squeeze %dma_wait3A_265 : memref<1x64xi32, #tpu.memory_space<vmem>> -> memref<64xi32, #tpu.memory_space<vmem>>
    %dma_wait3A_267 = arith.constant 0 : i32
    %dma_wait3A_268 = arith.constant 0 : i32
    %dma_wait3A_269 = tpu.memref_slice %arg6[%dma_wait3A_267, %dma_wait3A_268] : memref<72233x128xf32, #tpu.memory_space<hbm>> -> memref<72233x128xf32, #tpu.memory_space<hbm>>
    tpu.wait_indirect_dma semaphore(%arg19 : memref<!tpu.dma_semaphore, #tpu.memory_space<semaphore_mem>>) src(%dma_wait3A_269 : memref<72233x128xf32, #tpu.memory_space<hbm>>) dst(%arg18 : memref<64x128xf32, #tpu.memory_space<vmem>>)
    %add3A_270 = arith.constant 192 : i32
    %add3A_271 = arith.addi %mul3A_2, %add3A_270 : i32
    %dma_start3A_272 = arith.constant 0 : i32
    %dma_start3A_273 = tpu.memref_slice %arg7[%add3A_271, %dma_start3A_272] : memref<16384x256xf32, #tpu.memory_space<hbm>> -> memref<64x256xf32, #tpu.memory_space<hbm>>
    %dma_start3A_274 = arith.constant 0 : i32
    %dma_start3A_275 = tpu.memref_slice %arg7[%add3A_271, %dma_start3A_274] : memref<16384x256xf32, #tpu.memory_space<hbm>> -> memref<64x256xf32, #tpu.memory_space<hbm>>
    tpu.enqueue_dma source(%arg14 : memref<64x256xf32, #tpu.memory_space<vmem>>) target(%dma_start3A_275 : memref<64x256xf32, #tpu.memory_space<hbm>>) target_semaphore(%arg20 : memref<!tpu.dma_semaphore, #tpu.memory_space<semaphore_mem>>)
    %dma_start3A_276 = arith.constant 0 : i32
    %dma_start3A_277 = tpu.memref_slice %arg8[%add3A_271, %dma_start3A_276] : memref<16384x128xf32, #tpu.memory_space<hbm>> -> memref<64x128xf32, #tpu.memory_space<hbm>>
    %dma_start3A_278 = arith.constant 0 : i32
    %dma_start3A_279 = tpu.memref_slice %arg8[%add3A_271, %dma_start3A_278] : memref<16384x128xf32, #tpu.memory_space<hbm>> -> memref<64x128xf32, #tpu.memory_space<hbm>>
    tpu.enqueue_dma source(%arg16 : memref<64x128xf32, #tpu.memory_space<vmem>>) target(%dma_start3A_279 : memref<64x128xf32, #tpu.memory_space<hbm>>) target_semaphore(%arg20 : memref<!tpu.dma_semaphore, #tpu.memory_space<semaphore_mem>>)
    %dma_start3A_280 = arith.constant 0 : i32
    %dma_start3A_281 = tpu.memref_slice %arg9[%add3A_271, %dma_start3A_280] : memref<16384x128xf32, #tpu.memory_space<hbm>> -> memref<64x128xf32, #tpu.memory_space<hbm>>
    %dma_start3A_282 = arith.constant 0 : i32
    %dma_start3A_283 = tpu.memref_slice %arg9[%add3A_271, %dma_start3A_282] : memref<16384x128xf32, #tpu.memory_space<hbm>> -> memref<64x128xf32, #tpu.memory_space<hbm>>
    tpu.enqueue_dma source(%arg18 : memref<64x128xf32, #tpu.memory_space<vmem>>) target(%dma_start3A_283 : memref<64x128xf32, #tpu.memory_space<hbm>>) target_semaphore(%arg20 : memref<!tpu.dma_semaphore, #tpu.memory_space<semaphore_mem>>)
    %dma_wait3A_284 = arith.constant 0 : i32
    %dma_wait3A_285 = tpu.memref_slice %arg7[%add3A_271, %dma_wait3A_284] : memref<16384x256xf32, #tpu.memory_space<hbm>> -> memref<64x256xf32, #tpu.memory_space<hbm>>
    %dma_wait3A_286 = arith.constant 0 : i32
    %dma_wait3A_287 = tpu.memref_slice %arg7[%add3A_271, %dma_wait3A_286] : memref<16384x256xf32, #tpu.memory_space<hbm>> -> memref<64x256xf32, #tpu.memory_space<hbm>>
    tpu.wait_dma2 semaphore(%arg20 : memref<!tpu.dma_semaphore, #tpu.memory_space<semaphore_mem>>) src(%arg14 : memref<64x256xf32, #tpu.memory_space<vmem>>) dst(%dma_wait3A_287 : memref<64x256xf32, #tpu.memory_space<hbm>>)
    %dma_wait3A_288 = arith.constant 0 : i32
    %dma_wait3A_289 = tpu.memref_slice %arg8[%add3A_271, %dma_wait3A_288] : memref<16384x128xf32, #tpu.memory_space<hbm>> -> memref<64x128xf32, #tpu.memory_space<hbm>>
    %dma_wait3A_290 = arith.constant 0 : i32
    %dma_wait3A_291 = tpu.memref_slice %arg8[%add3A_271, %dma_wait3A_290] : memref<16384x128xf32, #tpu.memory_space<hbm>> -> memref<64x128xf32, #tpu.memory_space<hbm>>
    tpu.wait_dma2 semaphore(%arg20 : memref<!tpu.dma_semaphore, #tpu.memory_space<semaphore_mem>>) src(%arg16 : memref<64x128xf32, #tpu.memory_space<vmem>>) dst(%dma_wait3A_291 : memref<64x128xf32, #tpu.memory_space<hbm>>)
    %dma_wait3A_292 = arith.constant 0 : i32
    %dma_wait3A_293 = tpu.memref_slice %arg9[%add3A_271, %dma_wait3A_292] : memref<16384x128xf32, #tpu.memory_space<hbm>> -> memref<64x128xf32, #tpu.memory_space<hbm>>
    %dma_wait3A_294 = arith.constant 0 : i32
    %dma_wait3A_295 = tpu.memref_slice %arg9[%add3A_271, %dma_wait3A_294] : memref<16384x128xf32, #tpu.memory_space<hbm>> -> memref<64x128xf32, #tpu.memory_space<hbm>>
    tpu.wait_dma2 semaphore(%arg20 : memref<!tpu.dma_semaphore, #tpu.memory_space<semaphore_mem>>) src(%arg18 : memref<64x128xf32, #tpu.memory_space<vmem>>) dst(%dma_wait3A_295 : memref<64x128xf32, #tpu.memory_space<hbm>>)
    %dma_start3A_296 = arith.constant 5 : i32
    %dma_start3A_297 = arith.constant 0 : i32
    %dma_start3A_298 = tpu.memref_slice %arg10[%dma_start3A_296, %dma_start3A_297] : memref<8x64xi32, #tpu.memory_space<vmem>> -> memref<1x64xi32, #tpu.memory_space<vmem>>
    %dma_start3A_299 = tpu.memref_squeeze %dma_start3A_298 : memref<1x64xi32, #tpu.memory_space<vmem>> -> memref<64xi32, #tpu.memory_space<vmem>>
    %dma_start3A_300 = arith.constant 0 : i32
    %dma_start3A_301 = arith.constant 0 : i32
    %dma_start3A_302 = tpu.memref_slice %arg5[%dma_start3A_300, %dma_start3A_301] : memref<1000001x320xf32, #tpu.memory_space<hbm>> -> memref<1000001x256xf32, #tpu.memory_space<hbm>>
    tpu.enqueue_indirect_dma source(%dma_start3A_302 : memref<1000001x256xf32, #tpu.memory_space<hbm>>) target(%arg14 : memref<64x256xf32, #tpu.memory_space<vmem>>) offsets(%dma_start3A_299 : memref<64xi32, #tpu.memory_space<vmem>>) semaphore(%arg19 : memref<!tpu.dma_semaphore, #tpu.memory_space<semaphore_mem>>)
    %dma_start3A_303 = arith.constant 5 : i32
    %dma_start3A_304 = arith.constant 0 : i32
    %dma_start3A_305 = tpu.memref_slice %arg11[%dma_start3A_303, %dma_start3A_304] : memref<8x64xi32, #tpu.memory_space<vmem>> -> memref<1x64xi32, #tpu.memory_space<vmem>>
    %dma_start3A_306 = tpu.memref_squeeze %dma_start3A_305 : memref<1x64xi32, #tpu.memory_space<vmem>> -> memref<64xi32, #tpu.memory_space<vmem>>
    %dma_start3A_307 = arith.constant 0 : i32
    %dma_start3A_308 = arith.constant 0 : i32
    %dma_start3A_309 = tpu.memref_slice %arg6[%dma_start3A_307, %dma_start3A_308] : memref<72233x128xf32, #tpu.memory_space<hbm>> -> memref<72233x128xf32, #tpu.memory_space<hbm>>
    tpu.enqueue_indirect_dma source(%dma_start3A_309 : memref<72233x128xf32, #tpu.memory_space<hbm>>) target(%arg16 : memref<64x128xf32, #tpu.memory_space<vmem>>) offsets(%dma_start3A_306 : memref<64xi32, #tpu.memory_space<vmem>>) semaphore(%arg19 : memref<!tpu.dma_semaphore, #tpu.memory_space<semaphore_mem>>)
    %dma_start3A_310 = arith.constant 5 : i32
    %dma_start3A_311 = arith.constant 0 : i32
    %dma_start3A_312 = tpu.memref_slice %arg12[%dma_start3A_310, %dma_start3A_311] : memref<8x64xi32, #tpu.memory_space<vmem>> -> memref<1x64xi32, #tpu.memory_space<vmem>>
    %dma_start3A_313 = tpu.memref_squeeze %dma_start3A_312 : memref<1x64xi32, #tpu.memory_space<vmem>> -> memref<64xi32, #tpu.memory_space<vmem>>
    %dma_start3A_314 = arith.constant 0 : i32
    %dma_start3A_315 = arith.constant 0 : i32
    %dma_start3A_316 = tpu.memref_slice %arg6[%dma_start3A_314, %dma_start3A_315] : memref<72233x128xf32, #tpu.memory_space<hbm>> -> memref<72233x128xf32, #tpu.memory_space<hbm>>
    tpu.enqueue_indirect_dma source(%dma_start3A_316 : memref<72233x128xf32, #tpu.memory_space<hbm>>) target(%arg18 : memref<64x128xf32, #tpu.memory_space<vmem>>) offsets(%dma_start3A_313 : memref<64xi32, #tpu.memory_space<vmem>>) semaphore(%arg19 : memref<!tpu.dma_semaphore, #tpu.memory_space<semaphore_mem>>)
    %dma_wait3A_317 = arith.constant 4 : i32
    %dma_wait3A_318 = arith.constant 0 : i32
    %dma_wait3A_319 = tpu.memref_slice %arg10[%dma_wait3A_317, %dma_wait3A_318] : memref<8x64xi32, #tpu.memory_space<vmem>> -> memref<1x64xi32, #tpu.memory_space<vmem>>
    %dma_wait3A_320 = tpu.memref_squeeze %dma_wait3A_319 : memref<1x64xi32, #tpu.memory_space<vmem>> -> memref<64xi32, #tpu.memory_space<vmem>>
    %dma_wait3A_321 = arith.constant 0 : i32
    %dma_wait3A_322 = arith.constant 0 : i32
    %dma_wait3A_323 = tpu.memref_slice %arg5[%dma_wait3A_321, %dma_wait3A_322] : memref<1000001x320xf32, #tpu.memory_space<hbm>> -> memref<1000001x256xf32, #tpu.memory_space<hbm>>
    tpu.wait_indirect_dma semaphore(%arg19 : memref<!tpu.dma_semaphore, #tpu.memory_space<semaphore_mem>>) src(%dma_wait3A_323 : memref<1000001x256xf32, #tpu.memory_space<hbm>>) dst(%arg13 : memref<64x256xf32, #tpu.memory_space<vmem>>)
    %dma_wait3A_324 = arith.constant 4 : i32
    %dma_wait3A_325 = arith.constant 0 : i32
    %dma_wait3A_326 = tpu.memref_slice %arg11[%dma_wait3A_324, %dma_wait3A_325] : memref<8x64xi32, #tpu.memory_space<vmem>> -> memref<1x64xi32, #tpu.memory_space<vmem>>
    %dma_wait3A_327 = tpu.memref_squeeze %dma_wait3A_326 : memref<1x64xi32, #tpu.memory_space<vmem>> -> memref<64xi32, #tpu.memory_space<vmem>>
    %dma_wait3A_328 = arith.constant 0 : i32
    %dma_wait3A_329 = arith.constant 0 : i32
    %dma_wait3A_330 = tpu.memref_slice %arg6[%dma_wait3A_328, %dma_wait3A_329] : memref<72233x128xf32, #tpu.memory_space<hbm>> -> memref<72233x128xf32, #tpu.memory_space<hbm>>
    tpu.wait_indirect_dma semaphore(%arg19 : memref<!tpu.dma_semaphore, #tpu.memory_space<semaphore_mem>>) src(%dma_wait3A_330 : memref<72233x128xf32, #tpu.memory_space<hbm>>) dst(%arg15 : memref<64x128xf32, #tpu.memory_space<vmem>>)
    %dma_wait3A_331 = arith.constant 4 : i32
    %dma_wait3A_332 = arith.constant 0 : i32
    %dma_wait3A_333 = tpu.memref_slice %arg12[%dma_wait3A_331, %dma_wait3A_332] : memref<8x64xi32, #tpu.memory_space<vmem>> -> memref<1x64xi32, #tpu.memory_space<vmem>>
    %dma_wait3A_334 = tpu.memref_squeeze %dma_wait3A_333 : memref<1x64xi32, #tpu.memory_space<vmem>> -> memref<64xi32, #tpu.memory_space<vmem>>
    %dma_wait3A_335 = arith.constant 0 : i32
    %dma_wait3A_336 = arith.constant 0 : i32
    %dma_wait3A_337 = tpu.memref_slice %arg6[%dma_wait3A_335, %dma_wait3A_336] : memref<72233x128xf32, #tpu.memory_space<hbm>> -> memref<72233x128xf32, #tpu.memory_space<hbm>>
    tpu.wait_indirect_dma semaphore(%arg19 : memref<!tpu.dma_semaphore, #tpu.memory_space<semaphore_mem>>) src(%dma_wait3A_337 : memref<72233x128xf32, #tpu.memory_space<hbm>>) dst(%arg17 : memref<64x128xf32, #tpu.memory_space<vmem>>)
    %add3A_338 = arith.constant 256 : i32
    %add3A_339 = arith.addi %mul3A_2, %add3A_338 : i32
    %dma_start3A_340 = arith.constant 0 : i32
    %dma_start3A_341 = tpu.memref_slice %arg7[%add3A_339, %dma_start3A_340] : memref<16384x256xf32, #tpu.memory_space<hbm>> -> memref<64x256xf32, #tpu.memory_space<hbm>>
    %dma_start3A_342 = arith.constant 0 : i32
    %dma_start3A_343 = tpu.memref_slice %arg7[%add3A_339, %dma_start3A_342] : memref<16384x256xf32, #tpu.memory_space<hbm>> -> memref<64x256xf32, #tpu.memory_space<hbm>>
    tpu.enqueue_dma source(%arg13 : memref<64x256xf32, #tpu.memory_space<vmem>>) target(%dma_start3A_343 : memref<64x256xf32, #tpu.memory_space<hbm>>) target_semaphore(%arg20 : memref<!tpu.dma_semaphore, #tpu.memory_space<semaphore_mem>>)
    %dma_start3A_344 = arith.constant 0 : i32
    %dma_start3A_345 = tpu.memref_slice %arg8[%add3A_339, %dma_start3A_344] : memref<16384x128xf32, #tpu.memory_space<hbm>> -> memref<64x128xf32, #tpu.memory_space<hbm>>
    %dma_start3A_346 = arith.constant 0 : i32
    %dma_start3A_347 = tpu.memref_slice %arg8[%add3A_339, %dma_start3A_346] : memref<16384x128xf32, #tpu.memory_space<hbm>> -> memref<64x128xf32, #tpu.memory_space<hbm>>
    tpu.enqueue_dma source(%arg15 : memref<64x128xf32, #tpu.memory_space<vmem>>) target(%dma_start3A_347 : memref<64x128xf32, #tpu.memory_space<hbm>>) target_semaphore(%arg20 : memref<!tpu.dma_semaphore, #tpu.memory_space<semaphore_mem>>)
    %dma_start3A_348 = arith.constant 0 : i32
    %dma_start3A_349 = tpu.memref_slice %arg9[%add3A_339, %dma_start3A_348] : memref<16384x128xf32, #tpu.memory_space<hbm>> -> memref<64x128xf32, #tpu.memory_space<hbm>>
    %dma_start3A_350 = arith.constant 0 : i32
    %dma_start3A_351 = tpu.memref_slice %arg9[%add3A_339, %dma_start3A_350] : memref<16384x128xf32, #tpu.memory_space<hbm>> -> memref<64x128xf32, #tpu.memory_space<hbm>>
    tpu.enqueue_dma source(%arg17 : memref<64x128xf32, #tpu.memory_space<vmem>>) target(%dma_start3A_351 : memref<64x128xf32, #tpu.memory_space<hbm>>) target_semaphore(%arg20 : memref<!tpu.dma_semaphore, #tpu.memory_space<semaphore_mem>>)
    %dma_wait3A_352 = arith.constant 0 : i32
    %dma_wait3A_353 = tpu.memref_slice %arg7[%add3A_339, %dma_wait3A_352] : memref<16384x256xf32, #tpu.memory_space<hbm>> -> memref<64x256xf32, #tpu.memory_space<hbm>>
    %dma_wait3A_354 = arith.constant 0 : i32
    %dma_wait3A_355 = tpu.memref_slice %arg7[%add3A_339, %dma_wait3A_354] : memref<16384x256xf32, #tpu.memory_space<hbm>> -> memref<64x256xf32, #tpu.memory_space<hbm>>
    tpu.wait_dma2 semaphore(%arg20 : memref<!tpu.dma_semaphore, #tpu.memory_space<semaphore_mem>>) src(%arg13 : memref<64x256xf32, #tpu.memory_space<vmem>>) dst(%dma_wait3A_355 : memref<64x256xf32, #tpu.memory_space<hbm>>)
    %dma_wait3A_356 = arith.constant 0 : i32
    %dma_wait3A_357 = tpu.memref_slice %arg8[%add3A_339, %dma_wait3A_356] : memref<16384x128xf32, #tpu.memory_space<hbm>> -> memref<64x128xf32, #tpu.memory_space<hbm>>
    %dma_wait3A_358 = arith.constant 0 : i32
    %dma_wait3A_359 = tpu.memref_slice %arg8[%add3A_339, %dma_wait3A_358] : memref<16384x128xf32, #tpu.memory_space<hbm>> -> memref<64x128xf32, #tpu.memory_space<hbm>>
    tpu.wait_dma2 semaphore(%arg20 : memref<!tpu.dma_semaphore, #tpu.memory_space<semaphore_mem>>) src(%arg15 : memref<64x128xf32, #tpu.memory_space<vmem>>) dst(%dma_wait3A_359 : memref<64x128xf32, #tpu.memory_space<hbm>>)
    %dma_wait3A_360 = arith.constant 0 : i32
    %dma_wait3A_361 = tpu.memref_slice %arg9[%add3A_339, %dma_wait3A_360] : memref<16384x128xf32, #tpu.memory_space<hbm>> -> memref<64x128xf32, #tpu.memory_space<hbm>>
    %dma_wait3A_362 = arith.constant 0 : i32
    %dma_wait3A_363 = tpu.memref_slice %arg9[%add3A_339, %dma_wait3A_362] : memref<16384x128xf32, #tpu.memory_space<hbm>> -> memref<64x128xf32, #tpu.memory_space<hbm>>
    tpu.wait_dma2 semaphore(%arg20 : memref<!tpu.dma_semaphore, #tpu.memory_space<semaphore_mem>>) src(%arg17 : memref<64x128xf32, #tpu.memory_space<vmem>>) dst(%dma_wait3A_363 : memref<64x128xf32, #tpu.memory_space<hbm>>)
    %dma_start3A_364 = arith.constant 6 : i32
    %dma_start3A_365 = arith.constant 0 : i32
    %dma_start3A_366 = tpu.memref_slice %arg10[%dma_start3A_364, %dma_start3A_365] : memref<8x64xi32, #tpu.memory_space<vmem>> -> memref<1x64xi32, #tpu.memory_space<vmem>>
    %dma_start3A_367 = tpu.memref_squeeze %dma_start3A_366 : memref<1x64xi32, #tpu.memory_space<vmem>> -> memref<64xi32, #tpu.memory_space<vmem>>
    %dma_start3A_368 = arith.constant 0 : i32
    %dma_start3A_369 = arith.constant 0 : i32
    %dma_start3A_370 = tpu.memref_slice %arg5[%dma_start3A_368, %dma_start3A_369] : memref<1000001x320xf32, #tpu.memory_space<hbm>> -> memref<1000001x256xf32, #tpu.memory_space<hbm>>
    tpu.enqueue_indirect_dma source(%dma_start3A_370 : memref<1000001x256xf32, #tpu.memory_space<hbm>>) target(%arg13 : memref<64x256xf32, #tpu.memory_space<vmem>>) offsets(%dma_start3A_367 : memref<64xi32, #tpu.memory_space<vmem>>) semaphore(%arg19 : memref<!tpu.dma_semaphore, #tpu.memory_space<semaphore_mem>>)
    %dma_start3A_371 = arith.constant 6 : i32
    %dma_start3A_372 = arith.constant 0 : i32
    %dma_start3A_373 = tpu.memref_slice %arg11[%dma_start3A_371, %dma_start3A_372] : memref<8x64xi32, #tpu.memory_space<vmem>> -> memref<1x64xi32, #tpu.memory_space<vmem>>
    %dma_start3A_374 = tpu.memref_squeeze %dma_start3A_373 : memref<1x64xi32, #tpu.memory_space<vmem>> -> memref<64xi32, #tpu.memory_space<vmem>>
    %dma_start3A_375 = arith.constant 0 : i32
    %dma_start3A_376 = arith.constant 0 : i32
    %dma_start3A_377 = tpu.memref_slice %arg6[%dma_start3A_375, %dma_start3A_376] : memref<72233x128xf32, #tpu.memory_space<hbm>> -> memref<72233x128xf32, #tpu.memory_space<hbm>>
    tpu.enqueue_indirect_dma source(%dma_start3A_377 : memref<72233x128xf32, #tpu.memory_space<hbm>>) target(%arg15 : memref<64x128xf32, #tpu.memory_space<vmem>>) offsets(%dma_start3A_374 : memref<64xi32, #tpu.memory_space<vmem>>) semaphore(%arg19 : memref<!tpu.dma_semaphore, #tpu.memory_space<semaphore_mem>>)
    %dma_start3A_378 = arith.constant 6 : i32
    %dma_start3A_379 = arith.constant 0 : i32
    %dma_start3A_380 = tpu.memref_slice %arg12[%dma_start3A_378, %dma_start3A_379] : memref<8x64xi32, #tpu.memory_space<vmem>> -> memref<1x64xi32, #tpu.memory_space<vmem>>
    %dma_start3A_381 = tpu.memref_squeeze %dma_start3A_380 : memref<1x64xi32, #tpu.memory_space<vmem>> -> memref<64xi32, #tpu.memory_space<vmem>>
    %dma_start3A_382 = arith.constant 0 : i32
    %dma_start3A_383 = arith.constant 0 : i32
    %dma_start3A_384 = tpu.memref_slice %arg6[%dma_start3A_382, %dma_start3A_383] : memref<72233x128xf32, #tpu.memory_space<hbm>> -> memref<72233x128xf32, #tpu.memory_space<hbm>>
    tpu.enqueue_indirect_dma source(%dma_start3A_384 : memref<72233x128xf32, #tpu.memory_space<hbm>>) target(%arg17 : memref<64x128xf32, #tpu.memory_space<vmem>>) offsets(%dma_start3A_381 : memref<64xi32, #tpu.memory_space<vmem>>) semaphore(%arg19 : memref<!tpu.dma_semaphore, #tpu.memory_space<semaphore_mem>>)
    %dma_wait3A_385 = arith.constant 5 : i32
    %dma_wait3A_386 = arith.constant 0 : i32
    %dma_wait3A_387 = tpu.memref_slice %arg10[%dma_wait3A_385, %dma_wait3A_386] : memref<8x64xi32, #tpu.memory_space<vmem>> -> memref<1x64xi32, #tpu.memory_space<vmem>>
    %dma_wait3A_388 = tpu.memref_squeeze %dma_wait3A_387 : memref<1x64xi32, #tpu.memory_space<vmem>> -> memref<64xi32, #tpu.memory_space<vmem>>
    %dma_wait3A_389 = arith.constant 0 : i32
    %dma_wait3A_390 = arith.constant 0 : i32
    %dma_wait3A_391 = tpu.memref_slice %arg5[%dma_wait3A_389, %dma_wait3A_390] : memref<1000001x320xf32, #tpu.memory_space<hbm>> -> memref<1000001x256xf32, #tpu.memory_space<hbm>>
    tpu.wait_indirect_dma semaphore(%arg19 : memref<!tpu.dma_semaphore, #tpu.memory_space<semaphore_mem>>) src(%dma_wait3A_391 : memref<1000001x256xf32, #tpu.memory_space<hbm>>) dst(%arg14 : memref<64x256xf32, #tpu.memory_space<vmem>>)
    %dma_wait3A_392 = arith.constant 5 : i32
    %dma_wait3A_393 = arith.constant 0 : i32
    %dma_wait3A_394 = tpu.memref_slice %arg11[%dma_wait3A_392, %dma_wait3A_393] : memref<8x64xi32, #tpu.memory_space<vmem>> -> memref<1x64xi32, #tpu.memory_space<vmem>>
    %dma_wait3A_395 = tpu.memref_squeeze %dma_wait3A_394 : memref<1x64xi32, #tpu.memory_space<vmem>> -> memref<64xi32, #tpu.memory_space<vmem>>
    %dma_wait3A_396 = arith.constant 0 : i32
    %dma_wait3A_397 = arith.constant 0 : i32
    %dma_wait3A_398 = tpu.memref_slice %arg6[%dma_wait3A_396, %dma_wait3A_397] : memref<72233x128xf32, #tpu.memory_space<hbm>> -> memref<72233x128xf32, #tpu.memory_space<hbm>>
    tpu.wait_indirect_dma semaphore(%arg19 : memref<!tpu.dma_semaphore, #tpu.memory_space<semaphore_mem>>) src(%dma_wait3A_398 : memref<72233x128xf32, #tpu.memory_space<hbm>>) dst(%arg16 : memref<64x128xf32, #tpu.memory_space<vmem>>)
    %dma_wait3A_399 = arith.constant 5 : i32
    %dma_wait3A_400 = arith.constant 0 : i32
    %dma_wait3A_401 = tpu.memref_slice %arg12[%dma_wait3A_399, %dma_wait3A_400] : memref<8x64xi32, #tpu.memory_space<vmem>> -> memref<1x64xi32, #tpu.memory_space<vmem>>
    %dma_wait3A_402 = tpu.memref_squeeze %dma_wait3A_401 : memref<1x64xi32, #tpu.memory_space<vmem>> -> memref<64xi32, #tpu.memory_space<vmem>>
    %dma_wait3A_403 = arith.constant 0 : i32
    %dma_wait3A_404 = arith.constant 0 : i32
    %dma_wait3A_405 = tpu.memref_slice %arg6[%dma_wait3A_403, %dma_wait3A_404] : memref<72233x128xf32, #tpu.memory_space<hbm>> -> memref<72233x128xf32, #tpu.memory_space<hbm>>
    tpu.wait_indirect_dma semaphore(%arg19 : memref<!tpu.dma_semaphore, #tpu.memory_space<semaphore_mem>>) src(%dma_wait3A_405 : memref<72233x128xf32, #tpu.memory_space<hbm>>) dst(%arg18 : memref<64x128xf32, #tpu.memory_space<vmem>>)
    %add3A_406 = arith.constant 320 : i32
    %add3A_407 = arith.addi %mul3A_2, %add3A_406 : i32
    %dma_start3A_408 = arith.constant 0 : i32
    %dma_start3A_409 = tpu.memref_slice %arg7[%add3A_407, %dma_start3A_408] : memref<16384x256xf32, #tpu.memory_space<hbm>> -> memref<64x256xf32, #tpu.memory_space<hbm>>
    %dma_start3A_410 = arith.constant 0 : i32
    %dma_start3A_411 = tpu.memref_slice %arg7[%add3A_407, %dma_start3A_410] : memref<16384x256xf32, #tpu.memory_space<hbm>> -> memref<64x256xf32, #tpu.memory_space<hbm>>
    tpu.enqueue_dma source(%arg14 : memref<64x256xf32, #tpu.memory_space<vmem>>) target(%dma_start3A_411 : memref<64x256xf32, #tpu.memory_space<hbm>>) target_semaphore(%arg20 : memref<!tpu.dma_semaphore, #tpu.memory_space<semaphore_mem>>)
    %dma_start3A_412 = arith.constant 0 : i32
    %dma_start3A_413 = tpu.memref_slice %arg8[%add3A_407, %dma_start3A_412] : memref<16384x128xf32, #tpu.memory_space<hbm>> -> memref<64x128xf32, #tpu.memory_space<hbm>>
    %dma_start3A_414 = arith.constant 0 : i32
    %dma_start3A_415 = tpu.memref_slice %arg8[%add3A_407, %dma_start3A_414] : memref<16384x128xf32, #tpu.memory_space<hbm>> -> memref<64x128xf32, #tpu.memory_space<hbm>>
    tpu.enqueue_dma source(%arg16 : memref<64x128xf32, #tpu.memory_space<vmem>>) target(%dma_start3A_415 : memref<64x128xf32, #tpu.memory_space<hbm>>) target_semaphore(%arg20 : memref<!tpu.dma_semaphore, #tpu.memory_space<semaphore_mem>>)
    %dma_start3A_416 = arith.constant 0 : i32
    %dma_start3A_417 = tpu.memref_slice %arg9[%add3A_407, %dma_start3A_416] : memref<16384x128xf32, #tpu.memory_space<hbm>> -> memref<64x128xf32, #tpu.memory_space<hbm>>
    %dma_start3A_418 = arith.constant 0 : i32
    %dma_start3A_419 = tpu.memref_slice %arg9[%add3A_407, %dma_start3A_418] : memref<16384x128xf32, #tpu.memory_space<hbm>> -> memref<64x128xf32, #tpu.memory_space<hbm>>
    tpu.enqueue_dma source(%arg18 : memref<64x128xf32, #tpu.memory_space<vmem>>) target(%dma_start3A_419 : memref<64x128xf32, #tpu.memory_space<hbm>>) target_semaphore(%arg20 : memref<!tpu.dma_semaphore, #tpu.memory_space<semaphore_mem>>)
    %dma_wait3A_420 = arith.constant 0 : i32
    %dma_wait3A_421 = tpu.memref_slice %arg7[%add3A_407, %dma_wait3A_420] : memref<16384x256xf32, #tpu.memory_space<hbm>> -> memref<64x256xf32, #tpu.memory_space<hbm>>
    %dma_wait3A_422 = arith.constant 0 : i32
    %dma_wait3A_423 = tpu.memref_slice %arg7[%add3A_407, %dma_wait3A_422] : memref<16384x256xf32, #tpu.memory_space<hbm>> -> memref<64x256xf32, #tpu.memory_space<hbm>>
    tpu.wait_dma2 semaphore(%arg20 : memref<!tpu.dma_semaphore, #tpu.memory_space<semaphore_mem>>) src(%arg14 : memref<64x256xf32, #tpu.memory_space<vmem>>) dst(%dma_wait3A_423 : memref<64x256xf32, #tpu.memory_space<hbm>>)
    %dma_wait3A_424 = arith.constant 0 : i32
    %dma_wait3A_425 = tpu.memref_slice %arg8[%add3A_407, %dma_wait3A_424] : memref<16384x128xf32, #tpu.memory_space<hbm>> -> memref<64x128xf32, #tpu.memory_space<hbm>>
    %dma_wait3A_426 = arith.constant 0 : i32
    %dma_wait3A_427 = tpu.memref_slice %arg8[%add3A_407, %dma_wait3A_426] : memref<16384x128xf32, #tpu.memory_space<hbm>> -> memref<64x128xf32, #tpu.memory_space<hbm>>
    tpu.wait_dma2 semaphore(%arg20 : memref<!tpu.dma_semaphore, #tpu.memory_space<semaphore_mem>>) src(%arg16 : memref<64x128xf32, #tpu.memory_space<vmem>>) dst(%dma_wait3A_427 : memref<64x128xf32, #tpu.memory_space<hbm>>)
    %dma_wait3A_428 = arith.constant 0 : i32
    %dma_wait3A_429 = tpu.memref_slice %arg9[%add3A_407, %dma_wait3A_428] : memref<16384x128xf32, #tpu.memory_space<hbm>> -> memref<64x128xf32, #tpu.memory_space<hbm>>
    %dma_wait3A_430 = arith.constant 0 : i32
    %dma_wait3A_431 = tpu.memref_slice %arg9[%add3A_407, %dma_wait3A_430] : memref<16384x128xf32, #tpu.memory_space<hbm>> -> memref<64x128xf32, #tpu.memory_space<hbm>>
    tpu.wait_dma2 semaphore(%arg20 : memref<!tpu.dma_semaphore, #tpu.memory_space<semaphore_mem>>) src(%arg18 : memref<64x128xf32, #tpu.memory_space<vmem>>) dst(%dma_wait3A_431 : memref<64x128xf32, #tpu.memory_space<hbm>>)
    %dma_start3A_432 = arith.constant 7 : i32
    %dma_start3A_433 = arith.constant 0 : i32
    %dma_start3A_434 = tpu.memref_slice %arg10[%dma_start3A_432, %dma_start3A_433] : memref<8x64xi32, #tpu.memory_space<vmem>> -> memref<1x64xi32, #tpu.memory_space<vmem>>
    %dma_start3A_435 = tpu.memref_squeeze %dma_start3A_434 : memref<1x64xi32, #tpu.memory_space<vmem>> -> memref<64xi32, #tpu.memory_space<vmem>>
    %dma_start3A_436 = arith.constant 0 : i32
    %dma_start3A_437 = arith.constant 0 : i32
    %dma_start3A_438 = tpu.memref_slice %arg5[%dma_start3A_436, %dma_start3A_437] : memref<1000001x320xf32, #tpu.memory_space<hbm>> -> memref<1000001x256xf32, #tpu.memory_space<hbm>>
    tpu.enqueue_indirect_dma source(%dma_start3A_438 : memref<1000001x256xf32, #tpu.memory_space<hbm>>) target(%arg14 : memref<64x256xf32, #tpu.memory_space<vmem>>) offsets(%dma_start3A_435 : memref<64xi32, #tpu.memory_space<vmem>>) semaphore(%arg19 : memref<!tpu.dma_semaphore, #tpu.memory_space<semaphore_mem>>)
    %dma_start3A_439 = arith.constant 7 : i32
    %dma_start3A_440 = arith.constant 0 : i32
    %dma_start3A_441 = tpu.memref_slice %arg11[%dma_start3A_439, %dma_start3A_440] : memref<8x64xi32, #tpu.memory_space<vmem>> -> memref<1x64xi32, #tpu.memory_space<vmem>>
    %dma_start3A_442 = tpu.memref_squeeze %dma_start3A_441 : memref<1x64xi32, #tpu.memory_space<vmem>> -> memref<64xi32, #tpu.memory_space<vmem>>
    %dma_start3A_443 = arith.constant 0 : i32
    %dma_start3A_444 = arith.constant 0 : i32
    %dma_start3A_445 = tpu.memref_slice %arg6[%dma_start3A_443, %dma_start3A_444] : memref<72233x128xf32, #tpu.memory_space<hbm>> -> memref<72233x128xf32, #tpu.memory_space<hbm>>
    tpu.enqueue_indirect_dma source(%dma_start3A_445 : memref<72233x128xf32, #tpu.memory_space<hbm>>) target(%arg16 : memref<64x128xf32, #tpu.memory_space<vmem>>) offsets(%dma_start3A_442 : memref<64xi32, #tpu.memory_space<vmem>>) semaphore(%arg19 : memref<!tpu.dma_semaphore, #tpu.memory_space<semaphore_mem>>)
    %dma_start3A_446 = arith.constant 7 : i32
    %dma_start3A_447 = arith.constant 0 : i32
    %dma_start3A_448 = tpu.memref_slice %arg12[%dma_start3A_446, %dma_start3A_447] : memref<8x64xi32, #tpu.memory_space<vmem>> -> memref<1x64xi32, #tpu.memory_space<vmem>>
    %dma_start3A_449 = tpu.memref_squeeze %dma_start3A_448 : memref<1x64xi32, #tpu.memory_space<vmem>> -> memref<64xi32, #tpu.memory_space<vmem>>
    %dma_start3A_450 = arith.constant 0 : i32
    %dma_start3A_451 = arith.constant 0 : i32
    %dma_start3A_452 = tpu.memref_slice %arg6[%dma_start3A_450, %dma_start3A_451] : memref<72233x128xf32, #tpu.memory_space<hbm>> -> memref<72233x128xf32, #tpu.memory_space<hbm>>
    tpu.enqueue_indirect_dma source(%dma_start3A_452 : memref<72233x128xf32, #tpu.memory_space<hbm>>) target(%arg18 : memref<64x128xf32, #tpu.memory_space<vmem>>) offsets(%dma_start3A_449 : memref<64xi32, #tpu.memory_space<vmem>>) semaphore(%arg19 : memref<!tpu.dma_semaphore, #tpu.memory_space<semaphore_mem>>)
    %dma_wait3A_453 = arith.constant 6 : i32
    %dma_wait3A_454 = arith.constant 0 : i32
    %dma_wait3A_455 = tpu.memref_slice %arg10[%dma_wait3A_453, %dma_wait3A_454] : memref<8x64xi32, #tpu.memory_space<vmem>> -> memref<1x64xi32, #tpu.memory_space<vmem>>
    %dma_wait3A_456 = tpu.memref_squeeze %dma_wait3A_455 : memref<1x64xi32, #tpu.memory_space<vmem>> -> memref<64xi32, #tpu.memory_space<vmem>>
    %dma_wait3A_457 = arith.constant 0 : i32
    %dma_wait3A_458 = arith.constant 0 : i32
    %dma_wait3A_459 = tpu.memref_slice %arg5[%dma_wait3A_457, %dma_wait3A_458] : memref<1000001x320xf32, #tpu.memory_space<hbm>> -> memref<1000001x256xf32, #tpu.memory_space<hbm>>
    tpu.wait_indirect_dma semaphore(%arg19 : memref<!tpu.dma_semaphore, #tpu.memory_space<semaphore_mem>>) src(%dma_wait3A_459 : memref<1000001x256xf32, #tpu.memory_space<hbm>>) dst(%arg13 : memref<64x256xf32, #tpu.memory_space<vmem>>)
    %dma_wait3A_460 = arith.constant 6 : i32
    %dma_wait3A_461 = arith.constant 0 : i32
    %dma_wait3A_462 = tpu.memref_slice %arg11[%dma_wait3A_460, %dma_wait3A_461] : memref<8x64xi32, #tpu.memory_space<vmem>> -> memref<1x64xi32, #tpu.memory_space<vmem>>
    %dma_wait3A_463 = tpu.memref_squeeze %dma_wait3A_462 : memref<1x64xi32, #tpu.memory_space<vmem>> -> memref<64xi32, #tpu.memory_space<vmem>>
    %dma_wait3A_464 = arith.constant 0 : i32
    %dma_wait3A_465 = arith.constant 0 : i32
    %dma_wait3A_466 = tpu.memref_slice %arg6[%dma_wait3A_464, %dma_wait3A_465] : memref<72233x128xf32, #tpu.memory_space<hbm>> -> memref<72233x128xf32, #tpu.memory_space<hbm>>
    tpu.wait_indirect_dma semaphore(%arg19 : memref<!tpu.dma_semaphore, #tpu.memory_space<semaphore_mem>>) src(%dma_wait3A_466 : memref<72233x128xf32, #tpu.memory_space<hbm>>) dst(%arg15 : memref<64x128xf32, #tpu.memory_space<vmem>>)
    %dma_wait3A_467 = arith.constant 6 : i32
    %dma_wait3A_468 = arith.constant 0 : i32
    %dma_wait3A_469 = tpu.memref_slice %arg12[%dma_wait3A_467, %dma_wait3A_468] : memref<8x64xi32, #tpu.memory_space<vmem>> -> memref<1x64xi32, #tpu.memory_space<vmem>>
    %dma_wait3A_470 = tpu.memref_squeeze %dma_wait3A_469 : memref<1x64xi32, #tpu.memory_space<vmem>> -> memref<64xi32, #tpu.memory_space<vmem>>
    %dma_wait3A_471 = arith.constant 0 : i32
    %dma_wait3A_472 = arith.constant 0 : i32
    %dma_wait3A_473 = tpu.memref_slice %arg6[%dma_wait3A_471, %dma_wait3A_472] : memref<72233x128xf32, #tpu.memory_space<hbm>> -> memref<72233x128xf32, #tpu.memory_space<hbm>>
    tpu.wait_indirect_dma semaphore(%arg19 : memref<!tpu.dma_semaphore, #tpu.memory_space<semaphore_mem>>) src(%dma_wait3A_473 : memref<72233x128xf32, #tpu.memory_space<hbm>>) dst(%arg17 : memref<64x128xf32, #tpu.memory_space<vmem>>)
    %add3A_474 = arith.constant 384 : i32
    %add3A_475 = arith.addi %mul3A_2, %add3A_474 : i32
    %dma_start3A_476 = arith.constant 0 : i32
    %dma_start3A_477 = tpu.memref_slice %arg7[%add3A_475, %dma_start3A_476] : memref<16384x256xf32, #tpu.memory_space<hbm>> -> memref<64x256xf32, #tpu.memory_space<hbm>>
    %dma_start3A_478 = arith.constant 0 : i32
    %dma_start3A_479 = tpu.memref_slice %arg7[%add3A_475, %dma_start3A_478] : memref<16384x256xf32, #tpu.memory_space<hbm>> -> memref<64x256xf32, #tpu.memory_space<hbm>>
    tpu.enqueue_dma source(%arg13 : memref<64x256xf32, #tpu.memory_space<vmem>>) target(%dma_start3A_479 : memref<64x256xf32, #tpu.memory_space<hbm>>) target_semaphore(%arg20 : memref<!tpu.dma_semaphore, #tpu.memory_space<semaphore_mem>>)
    %dma_start3A_480 = arith.constant 0 : i32
    %dma_start3A_481 = tpu.memref_slice %arg8[%add3A_475, %dma_start3A_480] : memref<16384x128xf32, #tpu.memory_space<hbm>> -> memref<64x128xf32, #tpu.memory_space<hbm>>
    %dma_start3A_482 = arith.constant 0 : i32
    %dma_start3A_483 = tpu.memref_slice %arg8[%add3A_475, %dma_start3A_482] : memref<16384x128xf32, #tpu.memory_space<hbm>> -> memref<64x128xf32, #tpu.memory_space<hbm>>
    tpu.enqueue_dma source(%arg15 : memref<64x128xf32, #tpu.memory_space<vmem>>) target(%dma_start3A_483 : memref<64x128xf32, #tpu.memory_space<hbm>>) target_semaphore(%arg20 : memref<!tpu.dma_semaphore, #tpu.memory_space<semaphore_mem>>)
    %dma_start3A_484 = arith.constant 0 : i32
    %dma_start3A_485 = tpu.memref_slice %arg9[%add3A_475, %dma_start3A_484] : memref<16384x128xf32, #tpu.memory_space<hbm>> -> memref<64x128xf32, #tpu.memory_space<hbm>>
    %dma_start3A_486 = arith.constant 0 : i32
    %dma_start3A_487 = tpu.memref_slice %arg9[%add3A_475, %dma_start3A_486] : memref<16384x128xf32, #tpu.memory_space<hbm>> -> memref<64x128xf32, #tpu.memory_space<hbm>>
    tpu.enqueue_dma source(%arg17 : memref<64x128xf32, #tpu.memory_space<vmem>>) target(%dma_start3A_487 : memref<64x128xf32, #tpu.memory_space<hbm>>) target_semaphore(%arg20 : memref<!tpu.dma_semaphore, #tpu.memory_space<semaphore_mem>>)
    %dma_wait3A_488 = arith.constant 7 : i32
    %dma_wait3A_489 = arith.constant 0 : i32
    %dma_wait3A_490 = tpu.memref_slice %arg10[%dma_wait3A_488, %dma_wait3A_489] : memref<8x64xi32, #tpu.memory_space<vmem>> -> memref<1x64xi32, #tpu.memory_space<vmem>>
    %dma_wait3A_491 = tpu.memref_squeeze %dma_wait3A_490 : memref<1x64xi32, #tpu.memory_space<vmem>> -> memref<64xi32, #tpu.memory_space<vmem>>
    %dma_wait3A_492 = arith.constant 0 : i32
    %dma_wait3A_493 = arith.constant 0 : i32
    %dma_wait3A_494 = tpu.memref_slice %arg5[%dma_wait3A_492, %dma_wait3A_493] : memref<1000001x320xf32, #tpu.memory_space<hbm>> -> memref<1000001x256xf32, #tpu.memory_space<hbm>>
    tpu.wait_indirect_dma semaphore(%arg19 : memref<!tpu.dma_semaphore, #tpu.memory_space<semaphore_mem>>) src(%dma_wait3A_494 : memref<1000001x256xf32, #tpu.memory_space<hbm>>) dst(%arg14 : memref<64x256xf32, #tpu.memory_space<vmem>>)
    %dma_wait3A_495 = arith.constant 7 : i32
    %dma_wait3A_496 = arith.constant 0 : i32
    %dma_wait3A_497 = tpu.memref_slice %arg11[%dma_wait3A_495, %dma_wait3A_496] : memref<8x64xi32, #tpu.memory_space<vmem>> -> memref<1x64xi32, #tpu.memory_space<vmem>>
    %dma_wait3A_498 = tpu.memref_squeeze %dma_wait3A_497 : memref<1x64xi32, #tpu.memory_space<vmem>> -> memref<64xi32, #tpu.memory_space<vmem>>
    %dma_wait3A_499 = arith.constant 0 : i32
    %dma_wait3A_500 = arith.constant 0 : i32
    %dma_wait3A_501 = tpu.memref_slice %arg6[%dma_wait3A_499, %dma_wait3A_500] : memref<72233x128xf32, #tpu.memory_space<hbm>> -> memref<72233x128xf32, #tpu.memory_space<hbm>>
    tpu.wait_indirect_dma semaphore(%arg19 : memref<!tpu.dma_semaphore, #tpu.memory_space<semaphore_mem>>) src(%dma_wait3A_501 : memref<72233x128xf32, #tpu.memory_space<hbm>>) dst(%arg16 : memref<64x128xf32, #tpu.memory_space<vmem>>)
    %dma_wait3A_502 = arith.constant 7 : i32
    %dma_wait3A_503 = arith.constant 0 : i32
    %dma_wait3A_504 = tpu.memref_slice %arg12[%dma_wait3A_502, %dma_wait3A_503] : memref<8x64xi32, #tpu.memory_space<vmem>> -> memref<1x64xi32, #tpu.memory_space<vmem>>
    %dma_wait3A_505 = tpu.memref_squeeze %dma_wait3A_504 : memref<1x64xi32, #tpu.memory_space<vmem>> -> memref<64xi32, #tpu.memory_space<vmem>>
    %dma_wait3A_506 = arith.constant 0 : i32
    %dma_wait3A_507 = arith.constant 0 : i32
    %dma_wait3A_508 = tpu.memref_slice %arg6[%dma_wait3A_506, %dma_wait3A_507] : memref<72233x128xf32, #tpu.memory_space<hbm>> -> memref<72233x128xf32, #tpu.memory_space<hbm>>
    tpu.wait_indirect_dma semaphore(%arg19 : memref<!tpu.dma_semaphore, #tpu.memory_space<semaphore_mem>>) src(%dma_wait3A_508 : memref<72233x128xf32, #tpu.memory_space<hbm>>) dst(%arg18 : memref<64x128xf32, #tpu.memory_space<vmem>>)
    %add3A_509 = arith.constant 448 : i32
    %add3A_510 = arith.addi %mul3A_2, %add3A_509 : i32
    "tpu.region"() ({
      %run_scoped3A = tpu.sem_alloc : memref<!tpu.dma_semaphore, #tpu.memory_space<semaphore_mem>>
      %dma_start3A_523 = arith.constant 0 : i32
      %dma_start3A_524 = tpu.memref_slice %arg7[%add3A_510, %dma_start3A_523] : memref<16384x256xf32, #tpu.memory_space<hbm>> -> memref<64x256xf32, #tpu.memory_space<hbm>>
      %dma_start3A_525 = arith.constant 0 : i32
      %dma_start3A_526 = tpu.memref_slice %arg7[%add3A_510, %dma_start3A_525] : memref<16384x256xf32, #tpu.memory_space<hbm>> -> memref<64x256xf32, #tpu.memory_space<hbm>>
      tpu.enqueue_dma source(%arg14 : memref<64x256xf32, #tpu.memory_space<vmem>>) target(%dma_start3A_526 : memref<64x256xf32, #tpu.memory_space<hbm>>) target_semaphore(%run_scoped3A : memref<!tpu.dma_semaphore, #tpu.memory_space<semaphore_mem>>)
      %dma_wait3A_527 = arith.constant 0 : i32
      %dma_wait3A_528 = tpu.memref_slice %arg7[%add3A_510, %dma_wait3A_527] : memref<16384x256xf32, #tpu.memory_space<hbm>> -> memref<64x256xf32, #tpu.memory_space<hbm>>
      %dma_wait3A_529 = arith.constant 0 : i32
      %dma_wait3A_530 = tpu.memref_slice %arg7[%add3A_510, %dma_wait3A_529] : memref<16384x256xf32, #tpu.memory_space<hbm>> -> memref<64x256xf32, #tpu.memory_space<hbm>>
      tpu.wait_dma2 semaphore(%run_scoped3A : memref<!tpu.dma_semaphore, #tpu.memory_space<semaphore_mem>>) src(%arg14 : memref<64x256xf32, #tpu.memory_space<vmem>>) dst(%dma_wait3A_530 : memref<64x256xf32, #tpu.memory_space<hbm>>)
      tpu.yield
    }) : () -> ()
    "tpu.region"() ({
      %run_scoped3A = tpu.sem_alloc : memref<!tpu.dma_semaphore, #tpu.memory_space<semaphore_mem>>
      %dma_start3A_523 = arith.constant 0 : i32
      %dma_start3A_524 = tpu.memref_slice %arg8[%add3A_510, %dma_start3A_523] : memref<16384x128xf32, #tpu.memory_space<hbm>> -> memref<64x128xf32, #tpu.memory_space<hbm>>
      %dma_start3A_525 = arith.constant 0 : i32
      %dma_start3A_526 = tpu.memref_slice %arg8[%add3A_510, %dma_start3A_525] : memref<16384x128xf32, #tpu.memory_space<hbm>> -> memref<64x128xf32, #tpu.memory_space<hbm>>
      tpu.enqueue_dma source(%arg16 : memref<64x128xf32, #tpu.memory_space<vmem>>) target(%dma_start3A_526 : memref<64x128xf32, #tpu.memory_space<hbm>>) target_semaphore(%run_scoped3A : memref<!tpu.dma_semaphore, #tpu.memory_space<semaphore_mem>>)
      %dma_wait3A_527 = arith.constant 0 : i32
      %dma_wait3A_528 = tpu.memref_slice %arg8[%add3A_510, %dma_wait3A_527] : memref<16384x128xf32, #tpu.memory_space<hbm>> -> memref<64x128xf32, #tpu.memory_space<hbm>>
      %dma_wait3A_529 = arith.constant 0 : i32
      %dma_wait3A_530 = tpu.memref_slice %arg8[%add3A_510, %dma_wait3A_529] : memref<16384x128xf32, #tpu.memory_space<hbm>> -> memref<64x128xf32, #tpu.memory_space<hbm>>
      tpu.wait_dma2 semaphore(%run_scoped3A : memref<!tpu.dma_semaphore, #tpu.memory_space<semaphore_mem>>) src(%arg16 : memref<64x128xf32, #tpu.memory_space<vmem>>) dst(%dma_wait3A_530 : memref<64x128xf32, #tpu.memory_space<hbm>>)
      tpu.yield
    }) : () -> ()
    "tpu.region"() ({
      %run_scoped3A = tpu.sem_alloc : memref<!tpu.dma_semaphore, #tpu.memory_space<semaphore_mem>>
      %dma_start3A_523 = arith.constant 0 : i32
      %dma_start3A_524 = tpu.memref_slice %arg9[%add3A_510, %dma_start3A_523] : memref<16384x128xf32, #tpu.memory_space<hbm>> -> memref<64x128xf32, #tpu.memory_space<hbm>>
      %dma_start3A_525 = arith.constant 0 : i32
      %dma_start3A_526 = tpu.memref_slice %arg9[%add3A_510, %dma_start3A_525] : memref<16384x128xf32, #tpu.memory_space<hbm>> -> memref<64x128xf32, #tpu.memory_space<hbm>>
      tpu.enqueue_dma source(%arg18 : memref<64x128xf32, #tpu.memory_space<vmem>>) target(%dma_start3A_526 : memref<64x128xf32, #tpu.memory_space<hbm>>) target_semaphore(%run_scoped3A : memref<!tpu.dma_semaphore, #tpu.memory_space<semaphore_mem>>)
      %dma_wait3A_527 = arith.constant 0 : i32
      %dma_wait3A_528 = tpu.memref_slice %arg9[%add3A_510, %dma_wait3A_527] : memref<16384x128xf32, #tpu.memory_space<hbm>> -> memref<64x128xf32, #tpu.memory_space<hbm>>
      %dma_wait3A_529 = arith.constant 0 : i32
      %dma_wait3A_530 = tpu.memref_slice %arg9[%add3A_510, %dma_wait3A_529] : memref<16384x128xf32, #tpu.memory_space<hbm>> -> memref<64x128xf32, #tpu.memory_space<hbm>>
      tpu.wait_dma2 semaphore(%run_scoped3A : memref<!tpu.dma_semaphore, #tpu.memory_space<semaphore_mem>>) src(%arg18 : memref<64x128xf32, #tpu.memory_space<vmem>>) dst(%dma_wait3A_530 : memref<64x128xf32, #tpu.memory_space<hbm>>)
      tpu.yield
    }) : () -> ()
    %dma_wait3A_511 = arith.constant 0 : i32
    %dma_wait3A_512 = tpu.memref_slice %arg7[%add3A_475, %dma_wait3A_511] : memref<16384x256xf32, #tpu.memory_space<hbm>> -> memref<64x256xf32, #tpu.memory_space<hbm>>
    %dma_wait3A_513 = arith.constant 0 : i32
    %dma_wait3A_514 = tpu.memref_slice %arg7[%add3A_475, %dma_wait3A_513] : memref<16384x256xf32, #tpu.memory_space<hbm>> -> memref<64x256xf32, #tpu.memory_space<hbm>>
    tpu.wait_dma2 semaphore(%arg20 : memref<!tpu.dma_semaphore, #tpu.memory_space<semaphore_mem>>) src(%arg13 : memref<64x256xf32, #tpu.memory_space<vmem>>) dst(%dma_wait3A_514 : memref<64x256xf32, #tpu.memory_space<hbm>>)
    %dma_wait3A_515 = arith.constant 0 : i32
    %dma_wait3A_516 = tpu.memref_slice %arg8[%add3A_475, %dma_wait3A_515] : memref<16384x128xf32, #tpu.memory_space<hbm>> -> memref<64x128xf32, #tpu.memory_space<hbm>>
    %dma_wait3A_517 = arith.constant 0 : i32
    %dma_wait3A_518 = tpu.memref_slice %arg8[%add3A_475, %dma_wait3A_517] : memref<16384x128xf32, #tpu.memory_space<hbm>> -> memref<64x128xf32, #tpu.memory_space<hbm>>
    tpu.wait_dma2 semaphore(%arg20 : memref<!tpu.dma_semaphore, #tpu.memory_space<semaphore_mem>>) src(%arg15 : memref<64x128xf32, #tpu.memory_space<vmem>>) dst(%dma_wait3A_518 : memref<64x128xf32, #tpu.memory_space<hbm>>)
    %dma_wait3A_519 = arith.constant 0 : i32
    %dma_wait3A_520 = tpu.memref_slice %arg9[%add3A_475, %dma_wait3A_519] : memref<16384x128xf32, #tpu.memory_space<hbm>> -> memref<64x128xf32, #tpu.memory_space<hbm>>
    %dma_wait3A_521 = arith.constant 0 : i32
    %dma_wait3A_522 = tpu.memref_slice %arg9[%add3A_475, %dma_wait3A_521] : memref<16384x128xf32, #tpu.memory_space<hbm>> -> memref<64x128xf32, #tpu.memory_space<hbm>>
    tpu.wait_dma2 semaphore(%arg20 : memref<!tpu.dma_semaphore, #tpu.memory_space<semaphore_mem>>) src(%arg17 : memref<64x128xf32, #tpu.memory_space<vmem>>) dst(%dma_wait3A_522 : memref<64x128xf32, #tpu.memory_space<hbm>>)
    return
  }
}

module attributes {stable_mosaic.version = 14 : i64} {
  func.func @body(%arg0: i32, %arg1: memref<8192x128xf32, #tpu.memory_space<vmem>>, %arg2: memref<8192x128xf32, #tpu.memory_space<vmem>>) attributes {dimension_semantics = [#tpu.dimension_semantics<arbitrary>], iteration_bounds = array<i64: 123>, scalar_prefetch = 0 : i64, scratch_operands = 0 : i64, tpu.core_type = #tpu.core_type<tc>, window_params = [{transform_indices = @transform_0, window_bounds = array<i64: 8192, 128>}, {transform_indices = @transform_1, window_bounds = array<i64: 8192, 128>}]} {
    %get3A = arith.constant 0 : index
    %get3A_0 = arith.constant 0 : index
    %get3A_1 = vector.load %arg1[%get3A, %get3A_0] : memref<8192x128xf32, #tpu.memory_space<vmem>>, vector<8192x64xf32>
    %swap3A = arith.constant 0 : index
    %swap3A_2 = arith.constant 0 : index
    %swap3A_3 = vector.load %arg2[%swap3A, %swap3A_2] : memref<8192x128xf32, #tpu.memory_space<vmem>>, vector<8192x64xf32>
    tpu.vector_store %arg2[%swap3A, %swap3A_2], %get3A_1 {strides = array<i32>} : memref<8192x128xf32, #tpu.memory_space<vmem>>, vector<8192x64xf32>,
    %broadcast_in_dim3A = arith.constant 0.000000e+00 : f32
    %broadcast_in_dim3A_4 = vector.broadcast %broadcast_in_dim3A : f32 to vector<8192x64xf32>
    %swap3A_5 = arith.constant 0 : index
    %swap3A_6 = arith.constant 64 : index
    %swap3A_7 = vector.load %arg2[%swap3A_5, %swap3A_6] : memref<8192x128xf32, #tpu.memory_space<vmem>>, vector<8192x64xf32>
    tpu.vector_store %arg2[%swap3A_5, %swap3A_6], %broadcast_in_dim3A_4 {strides = array<i32>} : memref<8192x128xf32, #tpu.memory_space<vmem>>, vector<8192x64xf32>,
    return
  }
  func.func @transform_0(%arg0: i32) -> (i32, i32) {
    %c2_i32 = arith.constant 2 : i32
    %c0_i32 = arith.constant 0 : i32
    return %arg0, %c2_i32 : i32, i32
  }
  func.func @transform_1(%arg0: i32) -> (i32, i32) {
    %c0_i32 = arith.constant 0 : i32
    %c0_i32_0 = arith.constant 0 : i32
    return %arg0, %c0_i32 : i32, i32
  }
}

module attributes {stable_mosaic.version = 14 : i64} {
  func.func @body(%arg0: i32, %arg1: memref<512x256xf32, #tpu.memory_space<vmem>>, %arg2: memref<512x128xf32, #tpu.memory_space<vmem>>, %arg3: memref<512x128xf32, #tpu.memory_space<vmem>>, %arg4: memref<512x128xf32, #tpu.memory_space<vmem>>, %arg5: memref<576x512xf32, #tpu.memory_space<vmem>>) attributes {dimension_semantics = [#tpu.dimension_semantics<arbitrary>], iteration_bounds = array<i64: 32>, scalar_prefetch = 0 : i64, scratch_operands = 0 : i64, tpu.core_type = #tpu.core_type<tc>, window_params = [{transform_indices = @transform_0, window_bounds = array<i64: 512, 256>}, {transform_indices = @transform_1, window_bounds = array<i64: 512, 128>}, {transform_indices = @transform_2, window_bounds = array<i64: 512, 128>}, {transform_indices = @transform_3, window_bounds = array<i64: 512, 128>}, {transform_indices = @transform_4, window_bounds = array<i64: 576, 512>}]} {
    %get3A = arith.constant 0 : index
    %get3A_0 = arith.constant 0 : index
    %get3A_1 = vector.load %arg1[%get3A, %get3A_0] : memref<512x256xf32, #tpu.memory_space<vmem>>, vector<512x256xf32>
    %transpose3A = tpu.transpose %get3A_1, [1, 0] : vector<512x256xf32> -> vector<256x512xf32>
    %swap3A = arith.constant 0 : index
    %swap3A_2 = arith.constant 0 : index
    %swap3A_3 = vector.load %arg5[%swap3A, %swap3A_2] : memref<576x512xf32, #tpu.memory_space<vmem>>, vector<256x512xf32>
    tpu.vector_store %arg5[%swap3A, %swap3A_2], %transpose3A {strides = array<i32>} : memref<576x512xf32, #tpu.memory_space<vmem>>, vector<256x512xf32>,
    %get3A_4 = arith.constant 0 : index
    %get3A_5 = arith.constant 0 : index
    %get3A_6 = vector.load %arg2[%get3A_4, %get3A_5] : memref<512x128xf32, #tpu.memory_space<vmem>>, vector<512x64xf32>
    %transpose3A_7 = tpu.transpose %get3A_6, [1, 0] : vector<512x64xf32> -> vector<64x512xf32>
    %swap3A_8 = arith.constant 256 : index
    %swap3A_9 = arith.constant 0 : index
    %swap3A_10 = vector.load %arg5[%swap3A_8, %swap3A_9] : memref<576x512xf32, #tpu.memory_space<vmem>>, vector<64x512xf32>
    tpu.vector_store %arg5[%swap3A_8, %swap3A_9], %transpose3A_7 {strides = array<i32>} : memref<576x512xf32, #tpu.memory_space<vmem>>, vector<64x512xf32>,
    %get3A_11 = arith.constant 0 : index
    %get3A_12 = arith.constant 0 : index
    %get3A_13 = vector.load %arg3[%get3A_11, %get3A_12] : memref<512x128xf32, #tpu.memory_space<vmem>>, vector<512x128xf32>
    %transpose3A_14 = tpu.transpose %get3A_13, [1, 0] : vector<512x128xf32> -> vector<128x512xf32>
    %swap3A_15 = arith.constant 320 : index
    %swap3A_16 = arith.constant 0 : index
    %swap3A_17 = vector.load %arg5[%swap3A_15, %swap3A_16] : memref<576x512xf32, #tpu.memory_space<vmem>>, vector<128x512xf32>
    tpu.vector_store %arg5[%swap3A_15, %swap3A_16], %transpose3A_14 {strides = array<i32>} : memref<576x512xf32, #tpu.memory_space<vmem>>, vector<128x512xf32>,
    %get3A_18 = arith.constant 0 : index
    %get3A_19 = arith.constant 0 : index
    %get3A_20 = vector.load %arg4[%get3A_18, %get3A_19] : memref<512x128xf32, #tpu.memory_space<vmem>>, vector<512x128xf32>
    %transpose3A_21 = tpu.transpose %get3A_20, [1, 0] : vector<512x128xf32> -> vector<128x512xf32>
    %swap3A_22 = arith.constant 448 : index
    %swap3A_23 = arith.constant 0 : index
    %swap3A_24 = vector.load %arg5[%swap3A_22, %swap3A_23] : memref<576x512xf32, #tpu.memory_space<vmem>>, vector<128x512xf32>
    tpu.vector_store %arg5[%swap3A_22, %swap3A_23], %transpose3A_21 {strides = array<i32>} : memref<576x512xf32, #tpu.memory_space<vmem>>, vector<128x512xf32>,
    return
  }
  func.func @transform_0(%arg0: i32) -> (i32, i32) {
    %c0_i32 = arith.constant 0 : i32
    %c0_i32_0 = arith.constant 0 : i32
    return %arg0, %c0_i32 : i32, i32
  }
  func.func @transform_1(%arg0: i32) -> (i32, i32) {
    %c0_i32 = arith.constant 0 : i32
    %c0_i32_0 = arith.constant 0 : i32
    return %arg0, %c0_i32 : i32, i32
  }
  func.func @transform_2(%arg0: i32) -> (i32, i32) {
    %c0_i32 = arith.constant 0 : i32
    %c0_i32_0 = arith.constant 0 : i32
    return %arg0, %c0_i32 : i32, i32
  }
  func.func @transform_3(%arg0: i32) -> (i32, i32) {
    %c0_i32 = arith.constant 0 : i32
    %c0_i32_0 = arith.constant 0 : i32
    return %arg0, %c0_i32 : i32, i32
  }
  func.func @transform_4(%arg0: i32) -> (i32, i32) {
    %c0_i32 = arith.constant 0 : i32
    %c0_i32_0 = arith.constant 0 : i32
    return %c0_i32, %arg0 : i32, i32
  }
}

</mosaic_0001>

<sc_bundles>
// kernel: kernel.6.cloned.1.call-start
scs
__scs_entry_jumppad:
0x0: {  	(pc) =	sbr.rel $0x88, $3  }
0x1: {  	(tag) =	ssettag $0x0;
	lr =	simm.s32 $0x1  }
0x2: {  	[smem:$0x3F9B] =	sst lr;
	_ =	strace $0xD0000000  }
0x3: {  	_ = 	snop  }
0x4: {  	_ = 	snop  }
0x5: {  	_ = 	snop  }
0x6: {  	_ = 	snop  }
0x7: {  	_ = 	snop  }
__scs_overlays_trampoline_lowered:
0x8: {  	[smem:$0x3FAA] =	sst s0  }
0x9: {  	[smem:$0x3FAB] =	sst s1  }
0xa: {  	[smem:$0x3FAC] =	sst s2  }
0xb: {  	[smem:$0x3FAD] =	sst s3  }
0xc: {  	[smem:$0x3FAE] =	sst s4  }
0xd: {  	[smem:$0x3FAF] =	sst s5  }
0xe: {  	[smem:$0x3FB0] =	sst s6  }
0xf: {  	[smem:$0x3FB1] =	sst s7  }
0x10: {  	[smem:$0x3FB2] =	sst s8  }
0x11: {  	[smem:$0x3FB3] =	sst s9;
	s0 =	simm.s32 @!p0 $0x0  }
0x12: {  	s1 =	sld [smem:$0x3F99];
	s0 =	simm.s32 @p0 $0x1  }
0x13: {  	[smem:$0x3FB4] =	sst s0;
	s0 =	simm.s32 @!p1 $0x0  }
0x14: {  	s2 =	sld [smem:$0x3F98];
	s0 =	simm.s32 @p1 $0x1  }
0x15: {  	[smem:$0x3FB5] =	sst s0;
	s0 =	simm.s32 @!p2 $0x0  }
0x16: {  	s3 =	sld [smem:$0x3FDB];
	s0 =	simm.s32 @p2 $0x1  }
0x17: {  	s4 =	simm.s32 $0x1BF5;
	[smem:$0x3FB7] =	sst s0  }
0x18: {  	s0 =	sld [smem:$0x3F9A];
	_ =	swait.ge [sflag:s4], $0x0  }
0x19: {  	s7 =	sld [smem:$0x3F9B]  }
0x1a: {  	s8 =	sadd.s32 $0xFFFFE003, lr  }
0x1b: {  	s9 =	sadd.s32 $0xFFFFFEF7, lr;
	s5 =	simm.s32 $0xFFFFFFFF;
	p2 =	slt.u32 s8, $0xFFFFF086  }
0x1c: {  	p1 =	slt.u32 s9, $0xF7A;
	s5 =	simm.s32 @!p2 $0x0  }
0x1d: {  	s5 =	simm.s32 @p1 $0x1;
	p0 =	seq.s32 s7, s2  }
0x1e: {  	s7 =	smul.u32 @!p0 $0xF7A, s2;
	p2 =	seq.s32 @!p0 s5, $0x0  }
0x1f: {  	s9 =	smul.u32 $0xF7A, s1;
	s8 =	simm.s32 @!p0 $0x1BF5;
	p2 =	por !p2, p0  }
0x20: {  	[sflag:s8] =	ssyncset.s32 @!p0 $0xFFFFF086;
	s6 =	sadd.s32 @!p0 s3, s7;
	s7 =	simm.s32 @!p0 $0x108  }
0x21: {  	s3 =	sadd.s32 s3, s9;
	s6 =	sadd.s32 @!p0 $0x88, s6;
	s7 =	simm.s32 @p2 $0x1082  }
0x22: {  	[simem:s7], [sflag:s8] =	dma.local @!p0 [hbm:s6], $0xF7A  }
0x23: {  	s9 =	sor.u32 $0xD0000000, s2;
	s6 =	simm.s32 $0x108;
	_ =	swait.ge @!p0 [sflag:s8], $0x0  }
0x24: {  	s3 =	sadd.s32 $0x88, s3;
	s6 =	simm.s32 @!p1 $0x1082;
	[sflag:s4] =	ssyncset.s32 $0xFFFFF086  }
0x25: {  	[simem:s6], [sflag:s4] =	dma.local [hbm:s3], $0xF7A  }
0x26: {  	[smem:$0x3F9B] =	sst s1;
	(tag) =	ssettag s2;
	_ =	strace s9  }
0x27: {  	s1 =	sld [smem:$0x3FAB]  }
0x28: {  	s2 =	sld [smem:$0x3FAC]  }
0x29: {  	s4 =	sld [smem:$0x3FAE]  }
0x2a: {  	p0 =	seq.s32 s5, $0x0;
	s5 =	sld [smem:$0x3FAF]  }
0x2b: {  	s6 =	sld [smem:$0x3FB0]  }
0x2c: {  	s7 =	sld [smem:$0x3FB1]  }
0x2d: {  	s3 =	simm.s32 $0x108;
	s8 =	sld [smem:$0x3FB2]  }
0x2e: {  	s3 =	simm.s32 @!p0 $0x1082;
	s9 =	sld [smem:$0x3FB3]  }
0x2f: {  	lr =	sadd.s32 s0, s3;
	s0 =	sld [smem:$0x3FAA]  }
0x30: {  	s3 =	sld [smem:$0x3FAD]  }
0x31: {  	[smem:$0x3FB6] =	sst s10  }
0x32: {  	s10 =	sld [smem:$0x3FB4];
	_ =	sdelay $0x3  }
0x33: {  	p0 =	seq.s32 s10, $0x1;
	s10 =	sld [smem:$0x3FB6];
	_ =	sdelay $0x3  }
0x34: {  	[smem:$0x3FB6] =	sst s10  }
0x35: {  	s10 =	sld [smem:$0x3FB5];
	_ =	sdelay $0x3  }
0x36: {  	p1 =	seq.s32 s10, $0x1;
	s10 =	sld [smem:$0x3FB6];
	_ =	sdelay $0x3  }
0x37: {  	[smem:$0x3FB6] =	sst s10  }
0x38: {  	s10 =	sld [smem:$0x3FB7]  }
0x39: {  	_ = 	snop;
	(pc) =	sbr.ind lr, $3  }
0x3a: {  	_ = 	snop  }
0x3b: {  	_ = 	snop  }
0x3c: {  	p2 =	seq.s32 s10, $0x1;
	s10 =	sld [smem:$0x3FB6]  }
0x3d: {  	_ =	shalt  }
0x3e: {  	_ =	shalt  }
0x3f: {  	_ =	shalt  }
0x40: {  	_ =	shalt  }
0x41: {  	_ =	shalt  }
0x42: {  	_ =	shalt  }
0x43: {  	_ =	shalt  }
0x44: {  	_ =	shalt  }
0x45: {  	_ =	shalt  }
0x46: {  	_ =	shalt  }
0x47: {  	_ =	shalt  }
0x48: {  	_ =	shalt  }
0x49: {  	_ =	shalt  }
0x4a: {  	_ =	shalt  }
0x4b: {  	_ =	shalt  }
0x4c: {  	_ =	shalt  }
0x4d: {  	_ =	shalt  }
0x4e: {  	_ =	shalt  }
0x4f: {  	_ =	shalt  }
0x50: {  	_ =	shalt  }
0x51: {  	_ =	shalt  }
0x52: {  	_ =	shalt  }
0x53: {  	_ =	shalt  }
0x54: {  	_ =	shalt  }
0x55: {  	_ =	shalt  }
0x56: {  	_ =	shalt  }
0x57: {  	_ =	shalt  }
0x58: {  	_ =	shalt  }
0x59: {  	_ =	shalt  }
0x5a: {  	_ =	shalt  }
0x5b: {  	_ =	shalt  }
0x5c: {  	_ =	shalt  }
0x5d: {  	_ =	shalt  }
0x5e: {  	_ =	shalt  }
0x5f: {  	_ =	shalt  }
0x60: {  	_ =	shalt  }
0x61: {  	_ =	shalt  }
0x62: {  	_ =	shalt  }
0x63: {  	_ =	shalt  }
0x64: {  	_ =	shalt  }
0x65: {  	_ =	shalt  }
0x66: {  	_ =	shalt  }
0x67: {  	_ =	shalt  }
0x68: {  	_ =	shalt  }
0x69: {  	_ =	shalt  }
0x6a: {  	_ =	shalt  }
0x6b: {  	_ =	shalt  }
0x6c: {  	_ =	shalt  }
0x6d: {  	_ =	shalt  }
0x6e: {  	_ =	shalt  }
0x6f: {  	_ =	shalt  }
0x70: {  	_ =	shalt  }
0x71: {  	_ =	shalt  }
0x72: {  	_ =	shalt  }
0x73: {  	_ =	shalt  }
0x74: {  	_ =	shalt  }
0x75: {  	_ =	shalt  }
0x76: {  	_ =	shalt  }
0x77: {  	_ =	shalt  }
0x78: {  	_ =	shalt  }
0x79: {  	_ =	shalt  }
0x7a: {  	_ =	shalt  }
0x7b: {  	_ =	shalt  }
0x7c: {  	_ =	shalt  }
0x7d: {  	_ =	shalt  }
0x7e: {  	_ =	shalt  }
0x7f: {  	_ =	shalt  }
0x80: {  	_ =	shalt  }
0x81: {  	_ =	shalt  }
0x82: {  	_ =	shalt  }
0x83: {  	_ =	shalt  }
0x84: {  	_ =	shalt  }
0x85: {  	_ =	shalt  }
0x86: {  	_ =	shalt  }
0x87: {  	_ =	shalt  }
.Lfunc_end0:
.L_simem_size_0:
called_computation_lowered:
.L_overlay_start_0:
0x88: {  	s2 =	sld [smem:$0x3FD9]  }
0x89: {  	s3 =	sld [smem:$0x3FFE];
	_ =	sdelay $0x1  }
0x8a: {  	s1 =	srdreg.scid  }
0x8b: {  	s0 =	sand.u32 $0x1, s1  }
0x8c: {  	s17 =	sshll.u32 s0, $0xA;
	s2 =	sadd.s32 s3, s2  }
0x8d: {  	s2 =	sadd.s32 s2, s17  }
0x8e: {  	[smem:$0x3FC2] =	sst s2  }
0x8f: {  	_ = 	snop  }
0x90: {  	s2 =	sld [smem:$0x3FD0];
	(tm) =	ssettm $0x1  }
0x91: {  	s18 =	sld [smem:$0x3FFB];
	_ =	sdelay $0x3  }
0x92: {  	_ =	strace s18  }
0x93: {  	s3 =	sld [smem:$0x3FFC];
	_ =	sdelay $0x3  }
0x94: {  	_ =	strace s3  }
0x95: {  	s3 =	sld [smem:$0x3FFD];
	_ =	sdelay $0x3  }
0x96: {  	_ =	strace s3  }
0x97: {  	_ =	strace $0x8FFFFFFF  }
0x98: {  	s19 =	sld [smem:$0x3FDB];
	_ =	sdelay $0x1  }
0x99: {  	s4 =	simm.s32 $_scs_section_size  }
0x9a: {  	s5 =	simm.s32 $_size__tile_overlayer_lowered;
	s6 =	simm.s32 $_tile_overlayer_lowered  }
0x9b: {  	s22 =	simm.s32 $0x1BFF;
	s21 =	sshll.u32 s6, $0x1;
	s3 =	sadd.s32 s4, s19  }
0x9c: {  	s7 =	simm.s32 $0x0;
	s20 =	sshll.u32 s5, $0x1;
	s5 =	sadd.s32 s21, s3  }
0x9d: {  	[timem:s7], [sflag:s22] =	dma.local [hbm:s5], s20  }
0x9e: {  	_ =	swait.ge [sflag:s22], s20  }
0x9f: {  	s4 =	ssub.s32 $0x0, s20;
	[sflag:s22] =	ssyncset.done $0x0  }
0xa0: {  	[sflag:s22] =	ssyncadd.s32 s4;
	_ =	sdelay $0x1  }
0xa1: {  	s23 =	simm.s32 $0x1B8B  }
0xa2: {  	_ =	swait.ge [sflag:s23], $0x1  }
0xa3: {  	[sflag:s23] =	ssyncset.done $0x0  }
0xa4: {  	s25 =	simm.s32 $0x1B8E;
	s24 =	sld [smem:$0x3FFE];
	[sflag:s23] =	ssyncadd.s32 $0xFFFFFFFF  }
0xa5: {  	s26 =	simm.s32 $execute0_lowered;
	[smem:$0x3FD2] =	sst s25  }
0xa6: {  	s5 =	sshll.u32 s26, $0x1;
	_ =	strace $0x80000046;
	[dreg:$0x1] =	wrdreg $0xFFFFFFFF  }
0xa7: {  	s28 =	simm.s32 $_size_execute0_lowered;
	s3 =	sadd.s32 s3, s5;
	[dreg:$0x0] =	wrdreg $0x0  }
0xa8: {  	s5 =	sshll.u32 s28, $0x1;
	[dreg:$0x2] =	wrdreg s3  }
0xa9: {  	[dreg:$0x3] =	wrdreg s5  }
0xaa: {  	[dreg:$0x4] =	wrdreg $0xC0  }
0xab: {  	_ =	task [dreg:s7], $0x5FFFF  }
0xac: {  	[dreg:$0x1] =	wrdreg $0xFFFFFFFF  }
0xad: {  	[dreg:$0x0] =	wrdreg $0x60  }
0xae: {  	[dreg:$0x2] =	wrdreg s24  }
0xaf: {  	[dreg:$0x3] =	wrdreg s2  }
0xb0: {  	[dreg:$0x4] =	wrdreg $0x9  }
0xb1: {  	_ =	task.clear_ibuf [dreg:s7], $0x5FFFF;
	_ =	strace $0x90000046  }
0xb2: {  	s29 =	simm.s32 $0x9;
	_ =	strace $0x80000048  }
0xb3: {  	_ =	swait.ge [sflag:s29], $0x1  }
0xb4: {  	[sflag:s29] =	ssyncadd.s32 $0xFFFFFFFF  }
0xb5: {  	_ =	strace $0x90000048  }
0xb6: {  	_ =	sfence  }
0xb7: {  	s30 =	sld [smem:$0x0];
	_ =	sdelay $0x2  }
0xb8: {  	s31 =	sshll.u32 s1, $0xD;
	s1 =	sshrl.u32 s1, $0x2  }
0xb9: {  	s3 =	sand.u32 $0x4000, s31;
	s1 =	sadd.s32 s1, s30  }
0xba: {  	s0 =	sor.u32 s3, s0;
	s1 =	sshll.u32 s1, $0x11  }
0xbb: {  	s0 =	sor.u32 s1, s0  }
0xbc: {  	s0 =	sadd.s32 $0x8F2B, s0  }
0xbd: {  	[sflag:s0] =	ssyncadd.remote.s32 $0x1  }
0xbe: {  	_ =	sfence.sel $0xFFFF  }
0xbf: {  	[dreg:$0x0] =	wrdreg $0xFFFFFFFF;
	(pc) =	sbr.abs _section_cstart, $3  }
0xc0: {  	[dreg:$0x1] =	wrdreg $0xFFFFFFFF  }
0xc1: {  	_ =	task.clear_ibuf [dreg:s7], $0x2FFFF;
	_ =	strace $0x9FFFFFFF  }
0xc2: {  	(tm) =	ssettm $0x7FFFFFFF  }
0xc3: {  	_ =	shalt  }
tec
execute0_lowered:
.L_overlay_start_1:
0x0: {  	(tag) =	ssettag $0x1  }
0x1: {  	s2 =	srdreg.scid  }
0x2: {  	s0 =	stileid.u32;
	s1 =	rddreg [dreg:$0x0];
	s28 =	simm.s32 $0x8400  }
0x3: {  	s29 =	simm.s32 $0xAC00;
	s30 =	simm.s32 $0xEC00;
	s31 =	simm.s32 $0x1  }
0x4: {  	s7 =	sand.u32 $0x1, s2;
	s3 =	sshll.u32 s0, $0x1;
	s2 =	rddreg [dreg:$0x1]  }
0x5: {  	s6 =	sadd.s32 $0x44400, s1;
	s8 =	sor.u32 s7, s3;
	s3 =	simm.s32 $0x0  }
0x6: {  	s7 =	ssub.s32 $0x2, s7;
	s4 =	sshll.u32 s8, $0x7;
	[smem:$0x7FF] =	sst s3  }
0x7: {  	s23 =	sshll.u32 s8, $0xE;
	s24 =	sshll.u32 s8, $0xD;
	s8 =	sshll.u32 s8, $0x6  }
0x8: {  	s9 =	sadd.s32 s4, s1;
	_ =	strace $0x80000047;
	s4 =	sadd.s32 $0x4400, s1  }
0x9: {  	s11 =	sor.u32 $0x8, s8;
	s13 =	sor.u32 $0x10, s8;
	s5 =	sadd.s32 $0x2400, s9  }
0xa: {  	s19 =	sor.u32 $0x18, s8;
	s10 =	sadd.s32 $0x3400, s9;
	[dreg:$0x3] =	wrdreg s5  }
0xb: {  	s9 =	sadd.s32 $0x1400, s9;
	s25 =	sadd.s32 s4, s24;
	[dreg:$0x4] =	wrdreg s10  }
0xc: {  	s0 =	sshll.u32 s11, $0x8;
	s11 =	sshll.u32 s11, $0x7;
	[dreg:$0x5] =	wrdreg s9  }
0xd: {  	s15 =	sshll.u32 s13, $0x8;
	s9 =	sadd.s32 s6, s23;
	[dreg:$0x7] =	wrdreg s25  }
0xe: {  	s17 =	sshll.u32 s13, $0x7;
	s10 =	sadd.s32 s6, s0;
	[dreg:$0x6] =	wrdreg s9  }
0xf: {  	s21 =	sshll.u32 s19, $0x8;
	s12 =	sadd.s32 s4, s11;
	[dreg:$0x9] =	wrdreg s10  }
0x10: {  	s5 =	sadd.s32 $0xC4400, s1;
	s16 =	sadd.s32 s6, s15;
	[dreg:$0xa] =	wrdreg s12  }
0x11: {  	s18 =	sadd.s32 s4, s17;
	s22 =	sadd.s32 s6, s21;
	[dreg:$0xc] =	wrdreg s16  }
0x12: {  	s23 =	sshll.u32 s19, $0x7;
	s25 =	sor.u32 $0x20, s8;
	[dreg:$0xd] =	wrdreg s18  }
0x13: {  	s26 =	sadd.s32 s5, s24;
	s14 =	sadd.s32 s5, s11;
	[dreg:$0xf] =	wrdreg s22  }
0x14: {  	s20 =	sadd.s32 s5, s17;
	s24 =	sadd.s32 s4, s23;
	[dreg:$0x8] =	wrdreg s26  }
0x15: {  	s0 =	sshll.u32 s25, $0x8;
	s12 =	sshll.u32 s25, $0x7;
	[dreg:$0xb] =	wrdreg s14  }
0x16: {  	s11 =	sshrl.u32 s7, $0x1;
	s9 =	simm.s32 $0xC00;
	[dreg:$0xe] =	wrdreg s20  }
0x17: {  	[dreg:$0x10] =	wrdreg s24;
	s26 =	sadd.s32 s5, s23;
	s10 =	sadd.s32 s6, s0  }
0x18: {  	s13 =	sadd.s32 s4, s12;
	s14 =	sor.u32 $0x28, s8;
	[dreg:$0x11] =	wrdreg s26  }
0x19: {  	s15 =	sadd.s32 s5, s12;
	s20 =	sor.u32 $0x30, s8;
	[dreg:$0x12] =	wrdreg s10  }
0x1a: {  	s8 =	sor.u32 $0x38, s8;
	s12 =	ssub.s32 s7, s11;
	[dreg:$0x13] =	wrdreg s13  }
0x1b: {  	s11 =	simm.s32 $0x1C00;
	s16 =	sshll.u32 s14, $0x8;
	[dreg:$0x14] =	wrdreg s15  }
0x1c: {  	s18 =	sshll.u32 s14, $0x7;
	s22 =	sshll.u32 s20, $0x8;
	s13 =	simm.s32 $0x480  }
0x1d: {  	s24 =	sshll.u32 s20, $0x7;
	s14 =	simm.s32 $0x880;
	[dreg:$0x1e] =	wrdreg s13  }
0x1e: {  	s0 =	sshll.u32 s8, $0x8;
	s15 =	simm.s32 $0x500;
	[dreg:$0x1f] =	wrdreg s14  }
0x1f: {  	s8 =	sshll.u32 s8, $0x7;
	s20 =	simm.s32 $0xA00;
	[smem:$0x7F2] =	sst s15  }
0x20: {  	s10 =	simm.s32 $0x1400;
	s17 =	sadd.s32 s6, s16;
	[smem:$0x7F7] =	sst s20  }
0x21: {  	s19 =	sadd.s32 s4, s18;
	s21 =	sadd.s32 s5, s18;
	[dreg:$0x15] =	wrdreg s17  }
0x22: {  	s23 =	sadd.s32 s6, s22;
	s25 =	sadd.s32 s4, s24;
	[dreg:$0x16] =	wrdreg s19  }
0x23: {  	s26 =	sadd.s32 s5, s24;
	s6 =	sadd.s32 s6, s0;
	[dreg:$0x17] =	wrdreg s21  }
0x24: {  	s4 =	sadd.s32 s4, s8;
	s5 =	sadd.s32 s5, s8;
	[dreg:$0x18] =	wrdreg s23  }
0x25: {  	s8 =	simm.s32 $0x800;
	s13 =	simm.s32 $0x2C00;
	[dreg:$0x19] =	wrdreg s25  }
0x26: {  	s16 =	simm.s32 $0x900;
	s14 =	simm.s32 $0x3400;
	[dreg:$0x1a] =	wrdreg s26  }
0x27: {  	s15 =	simm.s32 $0x3C00;
	s18 =	simm.s32 $0x980;
	[dreg:$0x1b] =	wrdreg s6  }
0x28: {  	s22 =	simm.s32 $0xA80;
	s20 =	simm.s32 $0x4C00;
	[dreg:$0x1c] =	wrdreg s4  }
0x29: {  	s24 =	simm.s32 $0xB00;
	s4 =	sadd.s32 $0x238800, s1;
	[dreg:$0x1d] =	wrdreg s5  }
0x2a: {  	s5 =	smax.u32 s12, $0x1;
	s6 =	simm.s32 $0x3;
	[smem:$0x7F3] =	sst s16  }
0x2b: {  	s12 =	simm.s32 $0x2400;
	s17 =	simm.s32 $0x580;
	[smem:$0x7F5] =	sst s18  }
0x2c: {  	s16 =	simm.s32 $0x4400;
	s19 =	simm.s32 $0x600;
	[smem:$0x7F9] =	sst s22  }
0x2d: {  	s18 =	simm.s32 $0x8C00;
	s21 =	simm.s32 $0x680;
	[smem:$0x7FB] =	sst s24  }
0x2e: {  	s23 =	simm.s32 $0x700;
	s22 =	simm.s32 $0x5C00;
	[smem:$0x7F4] =	sst s17  }
0x2f: {  	s25 =	simm.s32 $0x780;
	s26 =	simm.s32 $0xB80;
	[smem:$0x7F6] =	sst s19  }
0x30: {  	s24 =	simm.s32 $0x6C00;
	s1 =	simm.s32 $0x2;
	[smem:$0x7F8] =	sst s21  }
0x31: {  	v2 =	vlaneseq.u32;
	s17 =	simm.s32 $0x40;
	s19 =	simm.s32 $0xCC00;
	[smem:$0x7FA] =	sst s23  }
0x32: {  	vm0 =	vmmov $0xffff;
	v1 =	vshrl.u32 v2, $0x3;
	s21 =	simm.s32 $0x5400;
	s23 =	simm.s32 $0x6400;
	[smem:$0x7FC] =	sst s25  }
0x33: {  	v0 =	vand.u32 $0x7, v2;
	v2 =	vor.u32 $0x8, v2;
	v1 =	vmul.u32 $0x8, v1;
	[smem:$0x7FD] =	sst s26;
	s25 =	simm.s32 $0x7400;
	s26 =	simm.s32 $0x7C00  }
.LBB2_1:
0x34: {  	s0 =	rddreg [dreg:$0x3]  }
0x35: {  	[tilespmem:s3], [sflag:$0x3] =	stream.linear.gather [hbm4b:s0+s3], $0x400, $0x38;
	[tilespmem:$0x10C00] =	vst v63  }
0x36: {  	_ =	swait.ge [sflag:s6], $0x400  }
0x37: {  	[sflag:s6] =	ssyncset.done $0x0  }
0x38: {  	s7 =	simm.s32 $0x400;
	s0 =	rddreg [dreg:$0x4];
	[sflag:s6] =	ssyncadd.s32 $0xFFFFFC00  }
0x39: {  	[tilespmem:s7], [sflag:$0x3] =	stream.linear.gather [hbm4b:s0+s3], $0x400, $0x38;
	[tilespmem:$0x10C00] =	vst v63  }
0x3a: {  	_ =	swait.ge [sflag:s6], $0x400  }
0x3b: {  	[sflag:s6] =	ssyncset.done $0x0  }
0x3c: {  	s0 =	rddreg [dreg:$0x5];
	[sflag:s6] =	ssyncadd.s32 $0xFFFFFC00  }
0x3d: {  	[tilespmem:s8], [sflag:$0x3] =	stream.linear.gather [hbm4b:s0+s3], $0x400, $0x38;
	[tilespmem:$0x10C00] =	vst v63  }
0x3e: {  	_ =	swait.ge [sflag:s6], $0x400  }
0x3f: {  	[sflag:s6] =	ssyncset.done $0x0  }
0x40: {  	[sflag:s6] =	ssyncadd.s32 $0xFFFFFC00  }
0x41: {  	v3 =	vld [tilespmem:$0x0];
	_ =	sdelay $0x4  }
0x42: {  	v4 =	vshrl.u32 v3, $0x3  }
0x43: {  	v4 =	vmul.u32 $0x18, v4  }
0x44: {  	v3 =	vand.u32 $0x7, v3  }
0x45: {  	v3 =	vor.u32 v3, v4  }
0x46: {  	v4 =	vperm.xlane v3, v0;
	_ =	sdelay $0x1  }
0x47: {  	v3 =	vperm.xlane v3, v2;
	v4 =	vadd.s32 v1, v4;
	_ =	sdelay $0x1  }
0x48: {  	v3 =	vadd.s32 v1, v3;
	_ =	sdelay $0x2  }
0x49: {  	[tilespmem:s9], [sflag:$0x1] =	stream.indirect_vreg.gather [hbm4b:s4+s3], $0x80, v4, vm0, $0xb8;
	[tilespmem:$0x10C00] =	vst v63  }
0x4a: {  	_ = 	snop  }
0x4b: {  	[tilespmem:s10], [sflag:$0x1] =	stream.indirect_vreg.gather [hbm4b:s4+s3], $0x80, v3, vm0, $0xb8;
	[tilespmem:$0x10C00] =	vst v63  }
0x4c: {  	v3 =	vld [tilespmem:$0x10];
	_ =	sdelay $0x4  }
0x4d: {  	v33 =	vshrl.u32 v3, $0x3  }
0x4e: {  	v4 =	vmul.u32 $0x18, v33  }
0x4f: {  	v3 =	vand.u32 $0x7, v3  }
0x50: {  	v3 =	vor.u32 v3, v4  }
0x51: {  	v4 =	vperm.xlane v3, v0;
	_ =	sdelay $0x1  }
0x52: {  	v3 =	vperm.xlane v3, v2;
	v4 =	vadd.s32 v1, v4;
	_ =	sdelay $0x1  }
0x53: {  	v3 =	vadd.s32 v1, v3;
	_ =	sdelay $0x2  }
0x54: {  	[tilespmem:s11], [sflag:$0x1] =	stream.indirect_vreg.gather [hbm4b:s4+s3], $0x80, v4, vm0, $0xb8;
	[tilespmem:$0x10C00] =	vst v63  }
0x55: {  	_ = 	snop  }
0x56: {  	[tilespmem:s12], [sflag:$0x1] =	stream.indirect_vreg.gather [hbm4b:s4+s3], $0x80, v3, vm0, $0xb8;
	[tilespmem:$0x10C00] =	vst v63  }
0x57: {  	v3 =	vld [tilespmem:$0x20];
	_ =	sdelay $0x4  }
0x58: {  	v34 =	vshrl.u32 v3, $0x3  }
0x59: {  	v4 =	vmul.u32 $0x18, v34  }
0x5a: {  	v3 =	vand.u32 $0x7, v3  }
0x5b: {  	v3 =	vor.u32 v3, v4  }
0x5c: {  	v4 =	vperm.xlane v3, v0;
	_ =	sdelay $0x1  }
0x5d: {  	v3 =	vperm.xlane v3, v2;
	v4 =	vadd.s32 v1, v4;
	_ =	sdelay $0x1  }
0x5e: {  	v3 =	vadd.s32 v1, v3;
	_ =	sdelay $0x2  }
0x5f: {  	[tilespmem:s13], [sflag:$0x1] =	stream.indirect_vreg.gather [hbm4b:s4+s3], $0x80, v4, vm0, $0xb8;
	[tilespmem:$0x10C00] =	vst v63  }
0x60: {  	_ = 	snop  }
0x61: {  	[tilespmem:s14], [sflag:$0x1] =	stream.indirect_vreg.gather [hbm4b:s4+s3], $0x80, v3, vm0, $0xb8;
	[tilespmem:$0x10C00] =	vst v63  }
0x62: {  	v3 =	vld [tilespmem:$0x30];
	_ =	sdelay $0x4  }
0x63: {  	v35 =	vshrl.u32 v3, $0x3  }
0x64: {  	v4 =	vmul.u32 $0x18, v35  }
0x65: {  	v3 =	vand.u32 $0x7, v3  }
0x66: {  	v3 =	vor.u32 v3, v4  }
0x67: {  	v4 =	vperm.xlane v3, v0;
	_ =	sdelay $0x1  }
0x68: {  	v3 =	vperm.xlane v3, v2;
	v4 =	vadd.s32 v1, v4;
	_ =	sdelay $0x1  }
0x69: {  	v3 =	vadd.s32 v1, v3;
	_ =	sdelay $0x2  }
0x6a: {  	[tilespmem:s15], [sflag:$0x1] =	stream.indirect_vreg.gather [hbm4b:s4+s3], $0x80, v4, vm0, $0xb8;
	[tilespmem:$0x10C00] =	vst v63  }
0x6b: {  	_ = 	snop  }
0x6c: {  	[tilespmem:s16], [sflag:$0x1] =	stream.indirect_vreg.gather [hbm4b:s4+s3], $0x80, v3, vm0, $0xb8;
	[tilespmem:$0x10C00] =	vst v63  }
0x6d: {  	_ = 	snop  }
0x6e: {  	[tilespmem:s18], [sflag:$0x1] =	stream.indirect.gather [hbm4b:s2+s17], $0x80, s7, s17, $0xb8;
	[tilespmem:$0x10C00] =	vst v63  }
0x6f: {  	_ = 	snop  }
0x70: {  	[tilespmem:s19], [sflag:$0x1] =	stream.indirect.gather [hbm4b:s2+s17], $0x80, s8, s17, $0xb8;
	[tilespmem:$0x10C00] =	vst v63  }
0x71: {  	v3 =	vld [tilespmem:$0x80];
	_ =	sdelay $0x4  }
0x72: {  	v36 =	vshrl.u32 v3, $0x3  }
0x73: {  	v4 =	vmul.u32 $0x18, v36  }
0x74: {  	v3 =	vand.u32 $0x7, v3  }
0x75: {  	v3 =	vor.u32 v3, v4  }
0x76: {  	v4 =	vperm.xlane v3, v0;
	_ =	sdelay $0x1  }
0x77: {  	v3 =	vperm.xlane v3, v2;
	v4 =	vadd.s32 v1, v4;
	_ =	sdelay $0x1  }
0x78: {  	v3 =	vadd.s32 v1, v3;
	_ =	sdelay $0x2  }
0x79: {  	[tilespmem:s20], [sflag:$0x1] =	stream.indirect_vreg.gather [hbm4b:s4+s3], $0x80, v4, vm0, $0xb8;
	[tilespmem:$0x10C00] =	vst v63  }
0x7a: {  	_ = 	snop  }
0x7b: {  	[tilespmem:s21], [sflag:$0x1] =	stream.indirect_vreg.gather [hbm4b:s4+s3], $0x80, v3, vm0, $0xb8;
	[tilespmem:$0x10C00] =	vst v63  }
0x7c: {  	v3 =	vld [tilespmem:$0x90];
	_ =	sdelay $0x4  }
0x7d: {  	v37 =	vshrl.u32 v3, $0x3  }
0x7e: {  	v4 =	vmul.u32 $0x18, v37  }
0x7f: {  	v3 =	vand.u32 $0x7, v3  }
0x80: {  	v3 =	vor.u32 v3, v4  }
0x81: {  	v4 =	vperm.xlane v3, v0;
	_ =	sdelay $0x1  }
0x82: {  	v3 =	vperm.xlane v3, v2;
	v4 =	vadd.s32 v1, v4;
	_ =	sdelay $0x1  }
0x83: {  	v3 =	vadd.s32 v1, v3;
	_ =	sdelay $0x2  }
0x84: {  	[tilespmem:s22], [sflag:$0x1] =	stream.indirect_vreg.gather [hbm4b:s4+s3], $0x80, v4, vm0, $0xb8;
	[tilespmem:$0x10C00] =	vst v63  }
0x85: {  	_ = 	snop  }
0x86: {  	[tilespmem:s23], [sflag:$0x1] =	stream.indirect_vreg.gather [hbm4b:s4+s3], $0x80, v3, vm0, $0xb8;
	[tilespmem:$0x10C00] =	vst v63  }
0x87: {  	v3 =	vld [tilespmem:$0xA0];
	_ =	sdelay $0x4  }
0x88: {  	v38 =	vshrl.u32 v3, $0x3  }
0x89: {  	v4 =	vmul.u32 $0x18, v38  }
0x8a: {  	v3 =	vand.u32 $0x7, v3  }
0x8b: {  	v3 =	vor.u32 v3, v4  }
0x8c: {  	v4 =	vperm.xlane v3, v0;
	_ =	sdelay $0x1  }
0x8d: {  	v3 =	vperm.xlane v3, v2;
	v4 =	vadd.s32 v1, v4;
	_ =	sdelay $0x1  }
0x8e: {  	v3 =	vadd.s32 v1, v3;
	_ =	sdelay $0x2  }
0x8f: {  	[tilespmem:s24], [sflag:$0x1] =	stream.indirect_vreg.gather [hbm4b:s4+s3], $0x80, v4, vm0, $0xb8;
	[tilespmem:$0x10C00] =	vst v63  }
0x90: {  	_ = 	snop  }
0x91: {  	[tilespmem:s25], [sflag:$0x1] =	stream.indirect_vreg.gather [hbm4b:s4+s3], $0x80, v3, vm0, $0xb8;
	[tilespmem:$0x10C00] =	vst v63  }
0x92: {  	v3 =	vld [tilespmem:$0xB0];
	_ =	sdelay $0x4  }
0x93: {  	v39 =	vshrl.u32 v3, $0x3  }
0x94: {  	v4 =	vmul.u32 $0x18, v39  }
0x95: {  	v3 =	vand.u32 $0x7, v3  }
0x96: {  	v3 =	vor.u32 v3, v4  }
0x97: {  	v4 =	vperm.xlane v3, v0;
	_ =	sdelay $0x1  }
0x98: {  	v3 =	vperm.xlane v3, v2;
	v4 =	vadd.s32 v1, v4;
	_ =	sdelay $0x1  }
0x99: {  	v3 =	vadd.s32 v1, v3;
	_ =	sdelay $0x2  }
0x9a: {  	[tilespmem:s26], [sflag:$0x1] =	stream.indirect_vreg.gather [hbm4b:s4+s3], $0x80, v4, vm0, $0xb8;
	[tilespmem:$0x10C00] =	vst v63  }
0x9b: {  	_ = 	snop  }
0x9c: {  	[tilespmem:s28], [sflag:$0x1] =	stream.indirect_vreg.gather [hbm4b:s4+s3], $0x80, v3, vm0, $0xb8;
	[tilespmem:$0x10C00] =	vst v63  }
0x9d: {  	s0 =	rddreg [dreg:$0x1e]  }
0x9e: {  	[tilespmem:s29], [sflag:$0x1] =	stream.indirect.gather [hbm4b:s2+s17], $0x80, s0, s17, $0xb8;
	[tilespmem:$0x10C00] =	vst v63  }
0x9f: {  	s7 =	rddreg [dreg:$0x1f]  }
0xa0: {  	[tilespmem:s30], [sflag:$0x1] =	stream.indirect.gather [hbm4b:s2+s17], $0x80, s7, s17, $0xb8;
	[tilespmem:$0x10C00] =	vst v63  }
0xa1: {  	_ =	swait.ge [sflag:s31], $0x4000  }
0xa2: {  	[sflag:s31] =	ssyncset.done $0x0  }
0xa3: {  	[sflag:s31] =	ssyncadd.s32 $0xFFFFC000  }
0xa4: {  	_ =	swait.ge [sflag:s31], $0x2000  }
0xa5: {  	[sflag:s31] =	ssyncset.done $0x0  }
0xa6: {  	[sflag:s31] =	ssyncadd.s32 $0xFFFFE000  }
0xa7: {  	_ =	swait.ge [sflag:s31], $0x2000  }
0xa8: {  	[sflag:s31] =	ssyncset.done $0x0  }
0xa9: {  	s0 =	rddreg [dreg:$0x6];
	[sflag:s31] =	ssyncadd.s32 $0xFFFFE000  }
0xaa: {  	[hbm4b:s0+s3] =	stream.linear.scatter [tilespmem:s9], [sflag:$0x2], $0x4000, $0x38;
	[tilespmem:$0x10C00] =	vst v63  }
0xab: {  	s7 =	rddreg [dreg:$0x7]  }
0xac: {  	[hbm4b:s7+s3] =	stream.linear.scatter [tilespmem:s18], [sflag:$0x2], $0x2000, $0x38;
	[tilespmem:$0x10C00] =	vst v63  }
0xad: {  	s0 =	rddreg [dreg:$0x8]  }
0xae: {  	[hbm4b:s0+s3] =	stream.linear.scatter [tilespmem:s19], [sflag:$0x2], $0x2000, $0x38;
	[tilespmem:$0x10C00] =	vst v63  }
0xaf: {  	_ =	swait.ge [sflag:s1], $0x4000  }
0xb0: {  	[sflag:s1] =	ssyncset.done $0x0  }
0xb1: {  	[sflag:s1] =	ssyncadd.s32 $0xFFFFC000  }
0xb2: {  	_ =	swait.ge [sflag:s1], $0x2000  }
0xb3: {  	[sflag:s1] =	ssyncset.done $0x0  }
0xb4: {  	[sflag:s1] =	ssyncadd.s32 $0xFFFFE000  }
0xb5: {  	_ =	swait.ge [sflag:s1], $0x2000  }
0xb6: {  	[sflag:s1] =	ssyncset.done $0x0  }
0xb7: {  	[sflag:s1] =	ssyncadd.s32 $0xFFFFE000  }
0xb8: {  	v3 =	vld [tilespmem:$0x100];
	_ =	sdelay $0x4  }
0xb9: {  	v40 =	vshrl.u32 v3, $0x3  }
0xba: {  	v4 =	vmul.u32 $0x18, v40  }
0xbb: {  	v3 =	vand.u32 $0x7, v3  }
0xbc: {  	v3 =	vor.u32 v3, v4  }
0xbd: {  	v4 =	vperm.xlane v3, v0;
	_ =	sdelay $0x1  }
0xbe: {  	v3 =	vperm.xlane v3, v2;
	v4 =	vadd.s32 v1, v4;
	_ =	sdelay $0x1  }
0xbf: {  	v3 =	vadd.s32 v1, v3;
	_ =	sdelay $0x2  }
0xc0: {  	[tilespmem:s9], [sflag:$0x1] =	stream.indirect_vreg.gather [hbm4b:s4+s3], $0x80, v4, vm0, $0xb8;
	[tilespmem:$0x10C00] =	vst v63  }
0xc1: {  	_ = 	snop  }
0xc2: {  	[tilespmem:s10], [sflag:$0x1] =	stream.indirect_vreg.gather [hbm4b:s4+s3], $0x80, v3, vm0, $0xb8;
	[tilespmem:$0x10C00] =	vst v63  }
0xc3: {  	v3 =	vld [tilespmem:$0x110];
	_ =	sdelay $0x4  }
0xc4: {  	v41 =	vshrl.u32 v3, $0x3  }
0xc5: {  	v4 =	vmul.u32 $0x18, v41  }
0xc6: {  	v3 =	vand.u32 $0x7, v3  }
0xc7: {  	v3 =	vor.u32 v3, v4  }
0xc8: {  	v4 =	vperm.xlane v3, v0;
	_ =	sdelay $0x1  }
0xc9: {  	v3 =	vperm.xlane v3, v2;
	v4 =	vadd.s32 v1, v4;
	_ =	sdelay $0x1  }
0xca: {  	v3 =	vadd.s32 v1, v3;
	_ =	sdelay $0x2  }
0xcb: {  	[tilespmem:s11], [sflag:$0x1] =	stream.indirect_vreg.gather [hbm4b:s4+s3], $0x80, v4, vm0, $0xb8;
	[tilespmem:$0x10C00] =	vst v63  }
0xcc: {  	_ = 	snop  }
0xcd: {  	[tilespmem:s12], [sflag:$0x1] =	stream.indirect_vreg.gather [hbm4b:s4+s3], $0x80, v3, vm0, $0xb8;
	[tilespmem:$0x10C00] =	vst v63  }
0xce: {  	v3 =	vld [tilespmem:$0x120];
	_ =	sdelay $0x4  }
0xcf: {  	v42 =	vshrl.u32 v3, $0x3  }
0xd0: {  	v4 =	vmul.u32 $0x18, v42  }
0xd1: {  	v3 =	vand.u32 $0x7, v3  }
0xd2: {  	v3 =	vor.u32 v3, v4  }
0xd3: {  	v4 =	vperm.xlane v3, v0;
	_ =	sdelay $0x1  }
0xd4: {  	v3 =	vperm.xlane v3, v2;
	v4 =	vadd.s32 v1, v4;
	_ =	sdelay $0x1  }
0xd5: {  	v3 =	vadd.s32 v1, v3;
	_ =	sdelay $0x2  }
0xd6: {  	[tilespmem:s13], [sflag:$0x1] =	stream.indirect_vreg.gather [hbm4b:s4+s3], $0x80, v4, vm0, $0xb8;
	[tilespmem:$0x10C00] =	vst v63  }
0xd7: {  	_ = 	snop  }
0xd8: {  	[tilespmem:s14], [sflag:$0x1] =	stream.indirect_vreg.gather [hbm4b:s4+s3], $0x80, v3, vm0, $0xb8;
	[tilespmem:$0x10C00] =	vst v63  }
0xd9: {  	v3 =	vld [tilespmem:$0x130];
	_ =	sdelay $0x4  }
0xda: {  	v43 =	vshrl.u32 v3, $0x3  }
0xdb: {  	v4 =	vmul.u32 $0x18, v43  }
0xdc: {  	v3 =	vand.u32 $0x7, v3  }
0xdd: {  	v3 =	vor.u32 v3, v4  }
0xde: {  	v4 =	vperm.xlane v3, v0;
	_ =	sdelay $0x1  }
0xdf: {  	v3 =	vperm.xlane v3, v2;
	v4 =	vadd.s32 v1, v4;
	_ =	sdelay $0x1  }
0xe0: {  	v3 =	vadd.s32 v1, v3;
	_ =	sdelay $0x2  }
0xe1: {  	[tilespmem:s15], [sflag:$0x1] =	stream.indirect_vreg.gather [hbm4b:s4+s3], $0x80, v4, vm0, $0xb8;
	[tilespmem:$0x10C00] =	vst v63  }
0xe2: {  	s0 =	sld [smem:$0x7F2]  }
0xe3: {  	[tilespmem:s16], [sflag:$0x1] =	stream.indirect_vreg.gather [hbm4b:s4+s3], $0x80, v3, vm0, $0xb8;
	[tilespmem:$0x10C00] =	vst v63  }
0xe4: {  	s7 =	sld [smem:$0x7F3]  }
0xe5: {  	[tilespmem:s18], [sflag:$0x1] =	stream.indirect.gather [hbm4b:s2+s17], $0x80, s0, s17, $0xb8;
	[tilespmem:$0x10C00] =	vst v63  }
0xe6: {  	_ = 	snop  }
0xe7: {  	[tilespmem:s19], [sflag:$0x1] =	stream.indirect.gather [hbm4b:s2+s17], $0x80, s7, s17, $0xb8;
	[tilespmem:$0x10C00] =	vst v63  }
0xe8: {  	_ =	swait.ge [sflag:s31], $0x4000  }
0xe9: {  	[sflag:s31] =	ssyncset.done $0x0  }
0xea: {  	[sflag:s31] =	ssyncadd.s32 $0xFFFFC000  }
0xeb: {  	_ =	swait.ge [sflag:s31], $0x2000  }
0xec: {  	[sflag:s31] =	ssyncset.done $0x0  }
0xed: {  	[sflag:s31] =	ssyncadd.s32 $0xFFFFE000  }
0xee: {  	_ =	swait.ge [sflag:s31], $0x2000  }
0xef: {  	[sflag:s31] =	ssyncset.done $0x0  }
0xf0: {  	s0 =	rddreg [dreg:$0x9];
	[sflag:s31] =	ssyncadd.s32 $0xFFFFE000  }
0xf1: {  	[hbm4b:s0+s3] =	stream.linear.scatter [tilespmem:s20], [sflag:$0x2], $0x4000, $0x38;
	[tilespmem:$0x10C00] =	vst v63  }
0xf2: {  	s7 =	rddreg [dreg:$0xa]  }
0xf3: {  	[hbm4b:s7+s3] =	stream.linear.scatter [tilespmem:s29], [sflag:$0x2], $0x2000, $0x38;
	[tilespmem:$0x10C00] =	vst v63  }
0xf4: {  	s0 =	rddreg [dreg:$0xb]  }
0xf5: {  	[hbm4b:s0+s3] =	stream.linear.scatter [tilespmem:s30], [sflag:$0x2], $0x2000, $0x38;
	[tilespmem:$0x10C00] =	vst v63  }
0xf6: {  	_ =	swait.ge [sflag:s1], $0x4000  }
0xf7: {  	[sflag:s1] =	ssyncset.done $0x0  }
0xf8: {  	[sflag:s1] =	ssyncadd.s32 $0xFFFFC000  }
0xf9: {  	_ =	swait.ge [sflag:s1], $0x2000  }
0xfa: {  	[sflag:s1] =	ssyncset.done $0x0  }
0xfb: {  	[sflag:s1] =	ssyncadd.s32 $0xFFFFE000  }
0xfc: {  	_ =	swait.ge [sflag:s1], $0x2000  }
0xfd: {  	[sflag:s1] =	ssyncset.done $0x0  }
0xfe: {  	[sflag:s1] =	ssyncadd.s32 $0xFFFFE000  }
0xff: {  	v3 =	vld [tilespmem:$0x180];
	_ =	sdelay $0x4  }
0x100: {  	v44 =	vshrl.u32 v3, $0x3  }
0x101: {  	v4 =	vmul.u32 $0x18, v44  }
0x102: {  	v3 =	vand.u32 $0x7, v3  }
0x103: {  	v3 =	vor.u32 v3, v4  }
0x104: {  	v4 =	vperm.xlane v3, v0;
	_ =	sdelay $0x1  }
0x105: {  	v3 =	vperm.xlane v3, v2;
	v4 =	vadd.s32 v1, v4;
	_ =	sdelay $0x1  }
0x106: {  	v3 =	vadd.s32 v1, v3;
	_ =	sdelay $0x2  }
0x107: {  	[tilespmem:s20], [sflag:$0x1] =	stream.indirect_vreg.gather [hbm4b:s4+s3], $0x80, v4, vm0, $0xb8;
	[tilespmem:$0x10C00] =	vst v63  }
0x108: {  	_ = 	snop  }
0x109: {  	[tilespmem:s21], [sflag:$0x1] =	stream.indirect_vreg.gather [hbm4b:s4+s3], $0x80, v3, vm0, $0xb8;
	[tilespmem:$0x10C00] =	vst v63  }
0x10a: {  	v3 =	vld [tilespmem:$0x190];
	_ =	sdelay $0x4  }
0x10b: {  	v45 =	vshrl.u32 v3, $0x3  }
0x10c: {  	v4 =	vmul.u32 $0x18, v45  }
0x10d: {  	v3 =	vand.u32 $0x7, v3  }
0x10e: {  	v3 =	vor.u32 v3, v4  }
0x10f: {  	v4 =	vperm.xlane v3, v0;
	_ =	sdelay $0x1  }
0x110: {  	v3 =	vperm.xlane v3, v2;
	v4 =	vadd.s32 v1, v4;
	_ =	sdelay $0x1  }
0x111: {  	v3 =	vadd.s32 v1, v3;
	_ =	sdelay $0x2  }
0x112: {  	[tilespmem:s22], [sflag:$0x1] =	stream.indirect_vreg.gather [hbm4b:s4+s3], $0x80, v4, vm0, $0xb8;
	[tilespmem:$0x10C00] =	vst v63  }
0x113: {  	_ = 	snop  }
0x114: {  	[tilespmem:s23], [sflag:$0x1] =	stream.indirect_vreg.gather [hbm4b:s4+s3], $0x80, v3, vm0, $0xb8;
	[tilespmem:$0x10C00] =	vst v63  }
0x115: {  	v3 =	vld [tilespmem:$0x1A0];
	_ =	sdelay $0x4  }
0x116: {  	v46 =	vshrl.u32 v3, $0x3  }
0x117: {  	v4 =	vmul.u32 $0x18, v46  }
0x118: {  	v3 =	vand.u32 $0x7, v3  }
0x119: {  	v3 =	vor.u32 v3, v4  }
0x11a: {  	v4 =	vperm.xlane v3, v0;
	_ =	sdelay $0x1  }
0x11b: {  	v3 =	vperm.xlane v3, v2;
	v4 =	vadd.s32 v1, v4;
	_ =	sdelay $0x1  }
0x11c: {  	v3 =	vadd.s32 v1, v3;
	_ =	sdelay $0x2  }
0x11d: {  	[tilespmem:s24], [sflag:$0x1] =	stream.indirect_vreg.gather [hbm4b:s4+s3], $0x80, v4, vm0, $0xb8;
	[tilespmem:$0x10C00] =	vst v63  }
0x11e: {  	_ = 	snop  }
0x11f: {  	[tilespmem:s25], [sflag:$0x1] =	stream.indirect_vreg.gather [hbm4b:s4+s3], $0x80, v3, vm0, $0xb8;
	[tilespmem:$0x10C00] =	vst v63  }
0x120: {  	v3 =	vld [tilespmem:$0x1B0];
	_ =	sdelay $0x4  }
0x121: {  	v47 =	vshrl.u32 v3, $0x3  }
0x122: {  	v4 =	vmul.u32 $0x18, v47  }
0x123: {  	v3 =	vand.u32 $0x7, v3  }
0x124: {  	v3 =	vor.u32 v3, v4  }
0x125: {  	v4 =	vperm.xlane v3, v0;
	_ =	sdelay $0x1  }
0x126: {  	v3 =	vperm.xlane v3, v2;
	v4 =	vadd.s32 v1, v4;
	_ =	sdelay $0x1  }
0x127: {  	v3 =	vadd.s32 v1, v3;
	_ =	sdelay $0x2  }
0x128: {  	[tilespmem:s26], [sflag:$0x1] =	stream.indirect_vreg.gather [hbm4b:s4+s3], $0x80, v4, vm0, $0xb8;
	[tilespmem:$0x10C00] =	vst v63  }
0x129: {  	s0 =	sld [smem:$0x7F4]  }
0x12a: {  	[tilespmem:s28], [sflag:$0x1] =	stream.indirect_vreg.gather [hbm4b:s4+s3], $0x80, v3, vm0, $0xb8;
	[tilespmem:$0x10C00] =	vst v63  }
0x12b: {  	s7 =	sld [smem:$0x7F5]  }
0x12c: {  	[tilespmem:s29], [sflag:$0x1] =	stream.indirect.gather [hbm4b:s2+s17], $0x80, s0, s17, $0xb8;
	[tilespmem:$0x10C00] =	vst v63  }
0x12d: {  	_ = 	snop  }
0x12e: {  	[tilespmem:s30], [sflag:$0x1] =	stream.indirect.gather [hbm4b:s2+s17], $0x80, s7, s17, $0xb8;
	[tilespmem:$0x10C00] =	vst v63  }
0x12f: {  	_ =	swait.ge [sflag:s31], $0x4000  }
0x130: {  	[sflag:s31] =	ssyncset.done $0x0  }
0x131: {  	[sflag:s31] =	ssyncadd.s32 $0xFFFFC000  }
0x132: {  	_ =	swait.ge [sflag:s31], $0x2000  }
0x133: {  	[sflag:s31] =	ssyncset.done $0x0  }
0x134: {  	[sflag:s31] =	ssyncadd.s32 $0xFFFFE000  }
0x135: {  	_ =	swait.ge [sflag:s31], $0x2000  }
0x136: {  	[sflag:s31] =	ssyncset.done $0x0  }
0x137: {  	s0 =	rddreg [dreg:$0xc];
	[sflag:s31] =	ssyncadd.s32 $0xFFFFE000  }
0x138: {  	[hbm4b:s0+s3] =	stream.linear.scatter [tilespmem:s9], [sflag:$0x2], $0x4000, $0x38;
	[tilespmem:$0x10C00] =	vst v63  }
0x139: {  	s7 =	rddreg [dreg:$0xd]  }
0x13a: {  	[hbm4b:s7+s3] =	stream.linear.scatter [tilespmem:s18], [sflag:$0x2], $0x2000, $0x38;
	[tilespmem:$0x10C00] =	vst v63  }
0x13b: {  	s0 =	rddreg [dreg:$0xe]  }
0x13c: {  	[hbm4b:s0+s3] =	stream.linear.scatter [tilespmem:s19], [sflag:$0x2], $0x2000, $0x38;
	[tilespmem:$0x10C00] =	vst v63  }
0x13d: {  	_ =	swait.ge [sflag:s1], $0x4000  }
0x13e: {  	[sflag:s1] =	ssyncset.done $0x0  }
0x13f: {  	[sflag:s1] =	ssyncadd.s32 $0xFFFFC000  }
0x140: {  	_ =	swait.ge [sflag:s1], $0x2000  }
0x141: {  	[sflag:s1] =	ssyncset.done $0x0  }
0x142: {  	[sflag:s1] =	ssyncadd.s32 $0xFFFFE000  }
0x143: {  	_ =	swait.ge [sflag:s1], $0x2000  }
0x144: {  	[sflag:s1] =	ssyncset.done $0x0  }
0x145: {  	[sflag:s1] =	ssyncadd.s32 $0xFFFFE000  }
0x146: {  	v3 =	vld [tilespmem:$0x200];
	_ =	sdelay $0x4  }
0x147: {  	v48 =	vshrl.u32 v3, $0x3  }
0x148: {  	v4 =	vmul.u32 $0x18, v48  }
0x149: {  	v3 =	vand.u32 $0x7, v3  }
0x14a: {  	v3 =	vor.u32 v3, v4  }
0x14b: {  	v4 =	vperm.xlane v3, v0;
	_ =	sdelay $0x1  }
0x14c: {  	v3 =	vperm.xlane v3, v2;
	v4 =	vadd.s32 v1, v4;
	_ =	sdelay $0x1  }
0x14d: {  	v3 =	vadd.s32 v1, v3;
	_ =	sdelay $0x2  }
0x14e: {  	[tilespmem:s9], [sflag:$0x1] =	stream.indirect_vreg.gather [hbm4b:s4+s3], $0x80, v4, vm0, $0xb8;
	[tilespmem:$0x10C00] =	vst v63  }
0x14f: {  	_ = 	snop  }
0x150: {  	[tilespmem:s10], [sflag:$0x1] =	stream.indirect_vreg.gather [hbm4b:s4+s3], $0x80, v3, vm0, $0xb8;
	[tilespmem:$0x10C00] =	vst v63  }
0x151: {  	v3 =	vld [tilespmem:$0x210];
	_ =	sdelay $0x4  }
0x152: {  	v49 =	vshrl.u32 v3, $0x3  }
0x153: {  	v4 =	vmul.u32 $0x18, v49  }
0x154: {  	v3 =	vand.u32 $0x7, v3  }
0x155: {  	v3 =	vor.u32 v3, v4  }
0x156: {  	v4 =	vperm.xlane v3, v0;
	_ =	sdelay $0x1  }
0x157: {  	v3 =	vperm.xlane v3, v2;
	v4 =	vadd.s32 v1, v4;
	_ =	sdelay $0x1  }
0x158: {  	v3 =	vadd.s32 v1, v3;
	_ =	sdelay $0x2  }
0x159: {  	[tilespmem:s11], [sflag:$0x1] =	stream.indirect_vreg.gather [hbm4b:s4+s3], $0x80, v4, vm0, $0xb8;
	[tilespmem:$0x10C00] =	vst v63  }
0x15a: {  	_ = 	snop  }
0x15b: {  	[tilespmem:s12], [sflag:$0x1] =	stream.indirect_vreg.gather [hbm4b:s4+s3], $0x80, v3, vm0, $0xb8;
	[tilespmem:$0x10C00] =	vst v63  }
0x15c: {  	v3 =	vld [tilespmem:$0x220];
	_ =	sdelay $0x4  }
0x15d: {  	v50 =	vshrl.u32 v3, $0x3  }
0x15e: {  	v4 =	vmul.u32 $0x18, v50  }
0x15f: {  	v3 =	vand.u32 $0x7, v3  }
0x160: {  	v3 =	vor.u32 v3, v4  }
0x161: {  	v4 =	vperm.xlane v3, v0;
	_ =	sdelay $0x1  }
0x162: {  	v3 =	vperm.xlane v3, v2;
	v4 =	vadd.s32 v1, v4;
	_ =	sdelay $0x1  }
0x163: {  	v3 =	vadd.s32 v1, v3;
	_ =	sdelay $0x2  }
0x164: {  	[tilespmem:s13], [sflag:$0x1] =	stream.indirect_vreg.gather [hbm4b:s4+s3], $0x80, v4, vm0, $0xb8;
	[tilespmem:$0x10C00] =	vst v63  }
0x165: {  	_ = 	snop  }
0x166: {  	[tilespmem:s14], [sflag:$0x1] =	stream.indirect_vreg.gather [hbm4b:s4+s3], $0x80, v3, vm0, $0xb8;
	[tilespmem:$0x10C00] =	vst v63  }
0x167: {  	v3 =	vld [tilespmem:$0x230];
	_ =	sdelay $0x4  }
0x168: {  	v51 =	vshrl.u32 v3, $0x3  }
0x169: {  	v4 =	vmul.u32 $0x18, v51  }
0x16a: {  	v3 =	vand.u32 $0x7, v3  }
0x16b: {  	v3 =	vor.u32 v3, v4  }
0x16c: {  	v4 =	vperm.xlane v3, v0;
	_ =	sdelay $0x1  }
0x16d: {  	v3 =	vperm.xlane v3, v2;
	v4 =	vadd.s32 v1, v4;
	_ =	sdelay $0x1  }
0x16e: {  	v3 =	vadd.s32 v1, v3;
	_ =	sdelay $0x2  }
0x16f: {  	[tilespmem:s15], [sflag:$0x1] =	stream.indirect_vreg.gather [hbm4b:s4+s3], $0x80, v4, vm0, $0xb8;
	[tilespmem:$0x10C00] =	vst v63  }
0x170: {  	s0 =	sld [smem:$0x7F6]  }
0x171: {  	[tilespmem:s16], [sflag:$0x1] =	stream.indirect_vreg.gather [hbm4b:s4+s3], $0x80, v3, vm0, $0xb8;
	[tilespmem:$0x10C00] =	vst v63  }
0x172: {  	s7 =	sld [smem:$0x7F7]  }
0x173: {  	[tilespmem:s18], [sflag:$0x1] =	stream.indirect.gather [hbm4b:s2+s17], $0x80, s0, s17, $0xb8;
	[tilespmem:$0x10C00] =	vst v63  }
0x174: {  	_ = 	snop  }
0x175: {  	[tilespmem:s19], [sflag:$0x1] =	stream.indirect.gather [hbm4b:s2+s17], $0x80, s7, s17, $0xb8;
	[tilespmem:$0x10C00] =	vst v63  }
0x176: {  	_ =	swait.ge [sflag:s31], $0x4000  }
0x177: {  	[sflag:s31] =	ssyncset.done $0x0  }
0x178: {  	[sflag:s31] =	ssyncadd.s32 $0xFFFFC000  }
0x179: {  	_ =	swait.ge [sflag:s31], $0x2000  }
0x17a: {  	[sflag:s31] =	ssyncset.done $0x0  }
0x17b: {  	[sflag:s31] =	ssyncadd.s32 $0xFFFFE000  }
0x17c: {  	_ =	swait.ge [sflag:s31], $0x2000  }
0x17d: {  	[sflag:s31] =	ssyncset.done $0x0  }
0x17e: {  	s0 =	rddreg [dreg:$0xf];
	[sflag:s31] =	ssyncadd.s32 $0xFFFFE000  }
0x17f: {  	[hbm4b:s0+s3] =	stream.linear.scatter [tilespmem:s20], [sflag:$0x2], $0x4000, $0x38;
	[tilespmem:$0x10C00] =	vst v63  }
0x180: {  	s7 =	rddreg [dreg:$0x10]  }
0x181: {  	[hbm4b:s7+s3] =	stream.linear.scatter [tilespmem:s29], [sflag:$0x2], $0x2000, $0x38;
	[tilespmem:$0x10C00] =	vst v63  }
0x182: {  	s0 =	rddreg [dreg:$0x11]  }
0x183: {  	[hbm4b:s0+s3] =	stream.linear.scatter [tilespmem:s30], [sflag:$0x2], $0x2000, $0x38;
	[tilespmem:$0x10C00] =	vst v63  }
0x184: {  	_ =	swait.ge [sflag:s1], $0x4000  }
0x185: {  	[sflag:s1] =	ssyncset.done $0x0  }
0x186: {  	[sflag:s1] =	ssyncadd.s32 $0xFFFFC000  }
0x187: {  	_ =	swait.ge [sflag:s1], $0x2000  }
0x188: {  	[sflag:s1] =	ssyncset.done $0x0  }
0x189: {  	[sflag:s1] =	ssyncadd.s32 $0xFFFFE000  }
0x18a: {  	_ =	swait.ge [sflag:s1], $0x2000  }
0x18b: {  	[sflag:s1] =	ssyncset.done $0x0  }
0x18c: {  	[sflag:s1] =	ssyncadd.s32 $0xFFFFE000  }
0x18d: {  	v3 =	vld [tilespmem:$0x280];
	_ =	sdelay $0x4  }
0x18e: {  	v52 =	vshrl.u32 v3, $0x3  }
0x18f: {  	v4 =	vmul.u32 $0x18, v52  }
0x190: {  	v3 =	vand.u32 $0x7, v3  }
0x191: {  	v3 =	vor.u32 v3, v4  }
0x192: {  	v4 =	vperm.xlane v3, v0;
	_ =	sdelay $0x1  }
0x193: {  	v3 =	vperm.xlane v3, v2;
	v4 =	vadd.s32 v1, v4;
	_ =	sdelay $0x1  }
0x194: {  	v3 =	vadd.s32 v1, v3;
	_ =	sdelay $0x2  }
0x195: {  	[tilespmem:s20], [sflag:$0x1] =	stream.indirect_vreg.gather [hbm4b:s4+s3], $0x80, v4, vm0, $0xb8;
	[tilespmem:$0x10C00] =	vst v63  }
0x196: {  	_ = 	snop  }
0x197: {  	[tilespmem:s21], [sflag:$0x1] =	stream.indirect_vreg.gather [hbm4b:s4+s3], $0x80, v3, vm0, $0xb8;
	[tilespmem:$0x10C00] =	vst v63  }
0x198: {  	v3 =	vld [tilespmem:$0x290];
	_ =	sdelay $0x4  }
0x199: {  	v53 =	vshrl.u32 v3, $0x3  }
0x19a: {  	v4 =	vmul.u32 $0x18, v53  }
0x19b: {  	v3 =	vand.u32 $0x7, v3  }
0x19c: {  	v3 =	vor.u32 v3, v4  }
0x19d: {  	v4 =	vperm.xlane v3, v0;
	_ =	sdelay $0x1  }
0x19e: {  	v3 =	vperm.xlane v3, v2;
	v4 =	vadd.s32 v1, v4;
	_ =	sdelay $0x1  }
0x19f: {  	v3 =	vadd.s32 v1, v3;
	_ =	sdelay $0x2  }
0x1a0: {  	[tilespmem:s22], [sflag:$0x1] =	stream.indirect_vreg.gather [hbm4b:s4+s3], $0x80, v4, vm0, $0xb8;
	[tilespmem:$0x10C00] =	vst v63  }
0x1a1: {  	_ = 	snop  }
0x1a2: {  	[tilespmem:s23], [sflag:$0x1] =	stream.indirect_vreg.gather [hbm4b:s4+s3], $0x80, v3, vm0, $0xb8;
	[tilespmem:$0x10C00] =	vst v63  }
0x1a3: {  	v3 =	vld [tilespmem:$0x2A0];
	_ =	sdelay $0x4  }
0x1a4: {  	v54 =	vshrl.u32 v3, $0x3  }
0x1a5: {  	v4 =	vmul.u32 $0x18, v54  }
0x1a6: {  	v3 =	vand.u32 $0x7, v3  }
0x1a7: {  	v3 =	vor.u32 v3, v4  }
0x1a8: {  	v4 =	vperm.xlane v3, v0;
	_ =	sdelay $0x1  }
0x1a9: {  	v3 =	vperm.xlane v3, v2;
	v4 =	vadd.s32 v1, v4;
	_ =	sdelay $0x1  }
0x1aa: {  	v3 =	vadd.s32 v1, v3;
	_ =	sdelay $0x2  }
0x1ab: {  	[tilespmem:s24], [sflag:$0x1] =	stream.indirect_vreg.gather [hbm4b:s4+s3], $0x80, v4, vm0, $0xb8;
	[tilespmem:$0x10C00] =	vst v63  }
0x1ac: {  	_ = 	snop  }
0x1ad: {  	[tilespmem:s25], [sflag:$0x1] =	stream.indirect_vreg.gather [hbm4b:s4+s3], $0x80, v3, vm0, $0xb8;
	[tilespmem:$0x10C00] =	vst v63  }
0x1ae: {  	v3 =	vld [tilespmem:$0x2B0];
	_ =	sdelay $0x4  }
0x1af: {  	v55 =	vshrl.u32 v3, $0x3  }
0x1b0: {  	v4 =	vmul.u32 $0x18, v55  }
0x1b1: {  	v3 =	vand.u32 $0x7, v3  }
0x1b2: {  	v3 =	vor.u32 v3, v4  }
0x1b3: {  	v4 =	vperm.xlane v3, v0;
	_ =	sdelay $0x1  }
0x1b4: {  	v3 =	vperm.xlane v3, v2;
	v4 =	vadd.s32 v1, v4;
	_ =	sdelay $0x1  }
0x1b5: {  	v3 =	vadd.s32 v1, v3;
	_ =	sdelay $0x2  }
0x1b6: {  	[tilespmem:s26], [sflag:$0x1] =	stream.indirect_vreg.gather [hbm4b:s4+s3], $0x80, v4, vm0, $0xb8;
	[tilespmem:$0x10C00] =	vst v63  }
0x1b7: {  	s0 =	sld [smem:$0x7F8]  }
0x1b8: {  	[tilespmem:s28], [sflag:$0x1] =	stream.indirect_vreg.gather [hbm4b:s4+s3], $0x80, v3, vm0, $0xb8;
	[tilespmem:$0x10C00] =	vst v63  }
0x1b9: {  	s7 =	sld [smem:$0x7F9]  }
0x1ba: {  	[tilespmem:s29], [sflag:$0x1] =	stream.indirect.gather [hbm4b:s2+s17], $0x80, s0, s17, $0xb8;
	[tilespmem:$0x10C00] =	vst v63  }
0x1bb: {  	_ = 	snop  }
0x1bc: {  	[tilespmem:s30], [sflag:$0x1] =	stream.indirect.gather [hbm4b:s2+s17], $0x80, s7, s17, $0xb8;
	[tilespmem:$0x10C00] =	vst v63  }
0x1bd: {  	_ =	swait.ge [sflag:s31], $0x4000  }
0x1be: {  	[sflag:s31] =	ssyncset.done $0x0  }
0x1bf: {  	[sflag:s31] =	ssyncadd.s32 $0xFFFFC000  }
0x1c0: {  	_ =	swait.ge [sflag:s31], $0x2000  }
0x1c1: {  	[sflag:s31] =	ssyncset.done $0x0  }
0x1c2: {  	[sflag:s31] =	ssyncadd.s32 $0xFFFFE000  }
0x1c3: {  	_ =	swait.ge [sflag:s31], $0x2000  }
0x1c4: {  	[sflag:s31] =	ssyncset.done $0x0  }
0x1c5: {  	s0 =	rddreg [dreg:$0x12];
	[sflag:s31] =	ssyncadd.s32 $0xFFFFE000  }
0x1c6: {  	[hbm4b:s0+s3] =	stream.linear.scatter [tilespmem:s9], [sflag:$0x2], $0x4000, $0x38;
	[tilespmem:$0x10C00] =	vst v63  }
0x1c7: {  	s7 =	rddreg [dreg:$0x13]  }
0x1c8: {  	[hbm4b:s7+s3] =	stream.linear.scatter [tilespmem:s18], [sflag:$0x2], $0x2000, $0x38;
	[tilespmem:$0x10C00] =	vst v63  }
0x1c9: {  	s0 =	rddreg [dreg:$0x14]  }
0x1ca: {  	[hbm4b:s0+s3] =	stream.linear.scatter [tilespmem:s19], [sflag:$0x2], $0x2000, $0x38;
	[tilespmem:$0x10C00] =	vst v63  }
0x1cb: {  	_ =	swait.ge [sflag:s1], $0x4000  }
0x1cc: {  	[sflag:s1] =	ssyncset.done $0x0  }
0x1cd: {  	[sflag:s1] =	ssyncadd.s32 $0xFFFFC000  }
0x1ce: {  	_ =	swait.ge [sflag:s1], $0x2000  }
0x1cf: {  	[sflag:s1] =	ssyncset.done $0x0  }
0x1d0: {  	[sflag:s1] =	ssyncadd.s32 $0xFFFFE000  }
0x1d1: {  	_ =	swait.ge [sflag:s1], $0x2000  }
0x1d2: {  	[sflag:s1] =	ssyncset.done $0x0  }
0x1d3: {  	[sflag:s1] =	ssyncadd.s32 $0xFFFFE000  }
0x1d4: {  	v3 =	vld [tilespmem:$0x300];
	_ =	sdelay $0x4  }
0x1d5: {  	v56 =	vshrl.u32 v3, $0x3  }
0x1d6: {  	v4 =	vmul.u32 $0x18, v56  }
0x1d7: {  	v3 =	vand.u32 $0x7, v3  }
0x1d8: {  	v3 =	vor.u32 v3, v4  }
0x1d9: {  	v4 =	vperm.xlane v3, v0;
	_ =	sdelay $0x1  }
0x1da: {  	v3 =	vperm.xlane v3, v2;
	v4 =	vadd.s32 v1, v4;
	_ =	sdelay $0x1  }
0x1db: {  	v3 =	vadd.s32 v1, v3;
	_ =	sdelay $0x2  }
0x1dc: {  	[tilespmem:s9], [sflag:$0x1] =	stream.indirect_vreg.gather [hbm4b:s4+s3], $0x80, v4, vm0, $0xb8;
	[tilespmem:$0x10C00] =	vst v63  }
0x1dd: {  	_ = 	snop  }
0x1de: {  	[tilespmem:s10], [sflag:$0x1] =	stream.indirect_vreg.gather [hbm4b:s4+s3], $0x80, v3, vm0, $0xb8;
	[tilespmem:$0x10C00] =	vst v63  }
0x1df: {  	v3 =	vld [tilespmem:$0x310];
	_ =	sdelay $0x4  }
0x1e0: {  	v57 =	vshrl.u32 v3, $0x3  }
0x1e1: {  	v4 =	vmul.u32 $0x18, v57  }
0x1e2: {  	v3 =	vand.u32 $0x7, v3  }
0x1e3: {  	v3 =	vor.u32 v3, v4  }
0x1e4: {  	v4 =	vperm.xlane v3, v0;
	_ =	sdelay $0x1  }
0x1e5: {  	v3 =	vperm.xlane v3, v2;
	v4 =	vadd.s32 v1, v4;
	_ =	sdelay $0x1  }
0x1e6: {  	v3 =	vadd.s32 v1, v3;
	_ =	sdelay $0x2  }
0x1e7: {  	[tilespmem:s11], [sflag:$0x1] =	stream.indirect_vreg.gather [hbm4b:s4+s3], $0x80, v4, vm0, $0xb8;
	[tilespmem:$0x10C00] =	vst v63  }
0x1e8: {  	_ = 	snop  }
0x1e9: {  	[tilespmem:s12], [sflag:$0x1] =	stream.indirect_vreg.gather [hbm4b:s4+s3], $0x80, v3, vm0, $0xb8;
	[tilespmem:$0x10C00] =	vst v63  }
0x1ea: {  	v3 =	vld [tilespmem:$0x320];
	_ =	sdelay $0x4  }
0x1eb: {  	v58 =	vshrl.u32 v3, $0x3  }
0x1ec: {  	v4 =	vmul.u32 $0x18, v58  }
0x1ed: {  	v3 =	vand.u32 $0x7, v3  }
0x1ee: {  	v3 =	vor.u32 v3, v4  }
0x1ef: {  	v4 =	vperm.xlane v3, v0;
	_ =	sdelay $0x1  }
0x1f0: {  	v3 =	vperm.xlane v3, v2;
	v4 =	vadd.s32 v1, v4;
	_ =	sdelay $0x1  }
0x1f1: {  	v3 =	vadd.s32 v1, v3;
	_ =	sdelay $0x2  }
0x1f2: {  	[tilespmem:s13], [sflag:$0x1] =	stream.indirect_vreg.gather [hbm4b:s4+s3], $0x80, v4, vm0, $0xb8;
	[tilespmem:$0x10C00] =	vst v63  }
0x1f3: {  	_ = 	snop  }
0x1f4: {  	[tilespmem:s14], [sflag:$0x1] =	stream.indirect_vreg.gather [hbm4b:s4+s3], $0x80, v3, vm0, $0xb8;
	[tilespmem:$0x10C00] =	vst v63  }
0x1f5: {  	v3 =	vld [tilespmem:$0x330];
	_ =	sdelay $0x4  }
0x1f6: {  	v59 =	vshrl.u32 v3, $0x3  }
0x1f7: {  	v4 =	vmul.u32 $0x18, v59  }
0x1f8: {  	v3 =	vand.u32 $0x7, v3  }
0x1f9: {  	v3 =	vor.u32 v3, v4  }
0x1fa: {  	v4 =	vperm.xlane v3, v0;
	_ =	sdelay $0x1  }
0x1fb: {  	v3 =	vperm.xlane v3, v2;
	v4 =	vadd.s32 v1, v4;
	_ =	sdelay $0x1  }
0x1fc: {  	v3 =	vadd.s32 v1, v3;
	_ =	sdelay $0x2  }
0x1fd: {  	[tilespmem:s15], [sflag:$0x1] =	stream.indirect_vreg.gather [hbm4b:s4+s3], $0x80, v4, vm0, $0xb8;
	[tilespmem:$0x10C00] =	vst v63  }
0x1fe: {  	s0 =	sld [smem:$0x7FA]  }
0x1ff: {  	[tilespmem:s16], [sflag:$0x1] =	stream.indirect_vreg.gather [hbm4b:s4+s3], $0x80, v3, vm0, $0xb8;
	[tilespmem:$0x10C00] =	vst v63  }
0x200: {  	s7 =	sld [smem:$0x7FB]  }
0x201: {  	[tilespmem:s18], [sflag:$0x1] =	stream.indirect.gather [hbm4b:s2+s17], $0x80, s0, s17, $0xb8;
	[tilespmem:$0x10C00] =	vst v63  }
0x202: {  	_ = 	snop  }
0x203: {  	[tilespmem:s19], [sflag:$0x1] =	stream.indirect.gather [hbm4b:s2+s17], $0x80, s7, s17, $0xb8;
	[tilespmem:$0x10C00] =	vst v63  }
0x204: {  	_ =	swait.ge [sflag:s31], $0x4000  }
0x205: {  	[sflag:s31] =	ssyncset.done $0x0  }
0x206: {  	[sflag:s31] =	ssyncadd.s32 $0xFFFFC000  }
0x207: {  	_ =	swait.ge [sflag:s31], $0x2000  }
0x208: {  	[sflag:s31] =	ssyncset.done $0x0  }
0x209: {  	[sflag:s31] =	ssyncadd.s32 $0xFFFFE000  }
0x20a: {  	_ =	swait.ge [sflag:s31], $0x2000  }
0x20b: {  	[sflag:s31] =	ssyncset.done $0x0  }
0x20c: {  	s0 =	rddreg [dreg:$0x15];
	[sflag:s31] =	ssyncadd.s32 $0xFFFFE000  }
0x20d: {  	[hbm4b:s0+s3] =	stream.linear.scatter [tilespmem:s20], [sflag:$0x2], $0x4000, $0x38;
	[tilespmem:$0x10C00] =	vst v63  }
0x20e: {  	s7 =	rddreg [dreg:$0x16]  }
0x20f: {  	[hbm4b:s7+s3] =	stream.linear.scatter [tilespmem:s29], [sflag:$0x2], $0x2000, $0x38;
	[tilespmem:$0x10C00] =	vst v63  }
0x210: {  	s0 =	rddreg [dreg:$0x17]  }
0x211: {  	[hbm4b:s0+s3] =	stream.linear.scatter [tilespmem:s30], [sflag:$0x2], $0x2000, $0x38;
	[tilespmem:$0x10C00] =	vst v63  }
0x212: {  	_ =	swait.ge [sflag:s1], $0x4000  }
0x213: {  	[sflag:s1] =	ssyncset.done $0x0  }
0x214: {  	[sflag:s1] =	ssyncadd.s32 $0xFFFFC000  }
0x215: {  	_ =	swait.ge [sflag:s1], $0x2000  }
0x216: {  	[sflag:s1] =	ssyncset.done $0x0  }
0x217: {  	[sflag:s1] =	ssyncadd.s32 $0xFFFFE000  }
0x218: {  	_ =	swait.ge [sflag:s1], $0x2000  }
0x219: {  	[sflag:s1] =	ssyncset.done $0x0  }
0x21a: {  	[sflag:s1] =	ssyncadd.s32 $0xFFFFE000  }
0x21b: {  	v3 =	vld [tilespmem:$0x380];
	_ =	sdelay $0x4  }
0x21c: {  	v60 =	vshrl.u32 v3, $0x3  }
0x21d: {  	v4 =	vmul.u32 $0x18, v60  }
0x21e: {  	v3 =	vand.u32 $0x7, v3  }
0x21f: {  	v3 =	vor.u32 v3, v4  }
0x220: {  	v4 =	vperm.xlane v3, v0;
	_ =	sdelay $0x1  }
0x221: {  	v3 =	vperm.xlane v3, v2;
	v4 =	vadd.s32 v1, v4;
	_ =	sdelay $0x1  }
0x222: {  	v3 =	vadd.s32 v1, v3;
	_ =	sdelay $0x2  }
0x223: {  	[tilespmem:s20], [sflag:$0x1] =	stream.indirect_vreg.gather [hbm4b:s4+s3], $0x80, v4, vm0, $0xb8;
	[tilespmem:$0x10C00] =	vst v63  }
0x224: {  	_ = 	snop  }
0x225: {  	[tilespmem:s21], [sflag:$0x1] =	stream.indirect_vreg.gather [hbm4b:s4+s3], $0x80, v3, vm0, $0xb8;
	[tilespmem:$0x10C00] =	vst v63  }
0x226: {  	v3 =	vld [tilespmem:$0x390];
	_ =	sdelay $0x4  }
0x227: {  	v61 =	vshrl.u32 v3, $0x3  }
0x228: {  	v4 =	vmul.u32 $0x18, v61  }
0x229: {  	v3 =	vand.u32 $0x7, v3  }
0x22a: {  	v3 =	vor.u32 v3, v4  }
0x22b: {  	v4 =	vperm.xlane v3, v0;
	_ =	sdelay $0x1  }
0x22c: {  	v3 =	vperm.xlane v3, v2;
	v4 =	vadd.s32 v1, v4;
	_ =	sdelay $0x1  }
0x22d: {  	v3 =	vadd.s32 v1, v3;
	_ =	sdelay $0x2  }
0x22e: {  	[tilespmem:s22], [sflag:$0x1] =	stream.indirect_vreg.gather [hbm4b:s4+s3], $0x80, v4, vm0, $0xb8;
	[tilespmem:$0x10C00] =	vst v63  }
0x22f: {  	_ = 	snop  }
0x230: {  	[tilespmem:s23], [sflag:$0x1] =	stream.indirect_vreg.gather [hbm4b:s4+s3], $0x80, v3, vm0, $0xb8;
	[tilespmem:$0x10C00] =	vst v63  }
0x231: {  	v3 =	vld [tilespmem:$0x3A0];
	_ =	sdelay $0x4  }
0x232: {  	v62 =	vshrl.u32 v3, $0x3  }
0x233: {  	v4 =	vmul.u32 $0x18, v62  }
0x234: {  	v3 =	vand.u32 $0x7, v3  }
0x235: {  	v3 =	vor.u32 v3, v4  }
0x236: {  	v4 =	vperm.xlane v3, v0;
	_ =	sdelay $0x1  }
0x237: {  	v3 =	vperm.xlane v3, v2;
	v4 =	vadd.s32 v1, v4;
	_ =	sdelay $0x1  }
0x238: {  	v3 =	vadd.s32 v1, v3;
	_ =	sdelay $0x2  }
0x239: {  	[tilespmem:s24], [sflag:$0x1] =	stream.indirect_vreg.gather [hbm4b:s4+s3], $0x80, v4, vm0, $0xb8;
	[tilespmem:$0x10C00] =	vst v63  }
0x23a: {  	_ = 	snop  }
0x23b: {  	[tilespmem:s25], [sflag:$0x1] =	stream.indirect_vreg.gather [hbm4b:s4+s3], $0x80, v3, vm0, $0xb8;
	[tilespmem:$0x10C00] =	vst v63  }
0x23c: {  	v3 =	vld [tilespmem:$0x3B0];
	_ =	sdelay $0x4  }
0x23d: {  	v63 =	vshrl.u32 v3, $0x3  }
0x23e: {  	v4 =	vmul.u32 $0x18, v63  }
0x23f: {  	v3 =	vand.u32 $0x7, v3  }
0x240: {  	v3 =	vor.u32 v3, v4  }
0x241: {  	v4 =	vperm.xlane v3, v0;
	_ =	sdelay $0x1  }
0x242: {  	v3 =	vperm.xlane v3, v2;
	v4 =	vadd.s32 v1, v4;
	_ =	sdelay $0x1  }
0x243: {  	v3 =	vadd.s32 v1, v3;
	_ =	sdelay $0x2  }
0x244: {  	[tilespmem:s26], [sflag:$0x1] =	stream.indirect_vreg.gather [hbm4b:s4+s3], $0x80, v4, vm0, $0xb8;
	[tilespmem:$0x10C00] =	vst v63  }
0x245: {  	s0 =	sld [smem:$0x7FC]  }
0x246: {  	[tilespmem:s28], [sflag:$0x1] =	stream.indirect_vreg.gather [hbm4b:s4+s3], $0x80, v3, vm0, $0xb8;
	[tilespmem:$0x10C00] =	vst v63  }
0x247: {  	s7 =	sld [smem:$0x7FD]  }
0x248: {  	[tilespmem:s29], [sflag:$0x1] =	stream.indirect.gather [hbm4b:s2+s17], $0x80, s0, s17, $0xb8;
	[tilespmem:$0x10C00] =	vst v63  }
0x249: {  	_ = 	snop  }
0x24a: {  	[tilespmem:s30], [sflag:$0x1] =	stream.indirect.gather [hbm4b:s2+s17], $0x80, s7, s17, $0xb8;
	[tilespmem:$0x10C00] =	vst v63  }
0x24b: {  	_ =	swait.ge [sflag:s31], $0x4000  }
0x24c: {  	[sflag:s31] =	ssyncset.done $0x0  }
0x24d: {  	[sflag:s31] =	ssyncadd.s32 $0xFFFFC000  }
0x24e: {  	_ =	swait.ge [sflag:s31], $0x2000  }
0x24f: {  	[sflag:s31] =	ssyncset.done $0x0  }
0x250: {  	[sflag:s31] =	ssyncadd.s32 $0xFFFFE000  }
0x251: {  	_ =	swait.ge [sflag:s31], $0x2000  }
0x252: {  	[sflag:s31] =	ssyncset.done $0x0  }
0x253: {  	s0 =	rddreg [dreg:$0x18];
	[sflag:s31] =	ssyncadd.s32 $0xFFFFE000  }
0x254: {  	[hbm4b:s0+s3] =	stream.linear.scatter [tilespmem:s9], [sflag:$0x2], $0x4000, $0x38;
	[tilespmem:$0x10C00] =	vst v63  }
0x255: {  	s7 =	rddreg [dreg:$0x19]  }
0x256: {  	[hbm4b:s7+s3] =	stream.linear.scatter [tilespmem:s18], [sflag:$0x2], $0x2000, $0x38;
	[tilespmem:$0x10C00] =	vst v63  }
0x257: {  	s0 =	rddreg [dreg:$0x1a]  }
0x258: {  	[hbm4b:s0+s3] =	stream.linear.scatter [tilespmem:s19], [sflag:$0x2], $0x2000, $0x38;
	[tilespmem:$0x10C00] =	vst v63  }
0x259: {  	_ =	swait.ge [sflag:s31], $0x4000  }
0x25a: {  	[sflag:s31] =	ssyncset.done $0x0  }
0x25b: {  	[sflag:s31] =	ssyncadd.s32 $0xFFFFC000  }
0x25c: {  	_ =	swait.ge [sflag:s31], $0x2000  }
0x25d: {  	[sflag:s31] =	ssyncset.done $0x0  }
0x25e: {  	[sflag:s31] =	ssyncadd.s32 $0xFFFFE000  }
0x25f: {  	_ =	swait.ge [sflag:s31], $0x2000  }
0x260: {  	[sflag:s31] =	ssyncset.done $0x0  }
0x261: {  	s7 =	rddreg [dreg:$0x1b];
	[sflag:s31] =	ssyncadd.s32 $0xFFFFE000  }
0x262: {  	[hbm4b:s7+s3] =	stream.linear.scatter [tilespmem:s20], [sflag:$0x3], $0x4000, $0x38;
	[tilespmem:$0x10C00] =	vst v63  }
0x263: {  	_ =	swait.ge [sflag:s6], $0x4000  }
0x264: {  	[sflag:s6] =	ssyncset.done $0x0  }
0x265: {  	s7 =	rddreg [dreg:$0x1c];
	[sflag:s6] =	ssyncadd.s32 $0xFFFFC000  }
0x266: {  	[hbm4b:s7+s3] =	stream.linear.scatter [tilespmem:s29], [sflag:$0x3], $0x2000, $0x38;
	[tilespmem:$0x10C00] =	vst v63  }
0x267: {  	_ =	swait.ge [sflag:s6], $0x2000  }
0x268: {  	[sflag:s6] =	ssyncset.done $0x0  }
0x269: {  	s7 =	rddreg [dreg:$0x1d];
	[sflag:s6] =	ssyncadd.s32 $0xFFFFE000  }
0x26a: {  	[hbm4b:s7+s3] =	stream.linear.scatter [tilespmem:s30], [sflag:$0x3], $0x2000, $0x38;
	[tilespmem:$0x10C00] =	vst v63  }
0x26b: {  	_ =	swait.ge [sflag:s6], $0x2000  }
0x26c: {  	[sflag:s6] =	ssyncset.done $0x0  }
0x26d: {  	[sflag:s6] =	ssyncadd.s32 $0xFFFFE000  }
0x26e: {  	_ =	swait.ge [sflag:s1], $0x4000  }
0x26f: {  	[sflag:s1] =	ssyncset.done $0x0  }
0x270: {  	[sflag:s1] =	ssyncadd.s32 $0xFFFFC000  }
0x271: {  	p0 =	sne.s32 s5, $0x1;
	_ =	swait.ge [sflag:s1], $0x2000  }
.Ltmp0:
0x272: {  	[sflag:s1] =	ssyncset.done $0x0;
	(pc) =	sbr.rel @p0 .LBB2_1-.Ltmp0, $4  }
0x273: {  	[sflag:s1] =	ssyncadd.s32 $0xFFFFE000  }
0x274: {  	_ =	swait.ge [sflag:s1], $0x2000  }
0x275: {  	[sflag:s1] =	ssyncset.done $0x0  }
0x276: {  	s5 =	sadd.s32 $0xFFFFFFFF, s5;
	[sflag:s1] =	ssyncadd.s32 $0xFFFFE000  }
0x277: {  	_ =	sfence.sel $0x180000  }
0x278: {  	[bflag:$0x0] =	sbarrier.arrive $0xFFFF  }
0x279: {  	_ =	strace $0x90000047  }
0x27a: {  	s0 =	stileid.u32;
	[bflag:$0x2] =	sbarrier.arrive $0xFFFF  }
0x27b: {  	p0 =	sne.s32 s0, $0x0;
	s0 =	rddreg [dreg:$0x2]  }
0x27c: {  	s0 =	sadd.s32 @!p0 $0x100000, s0  }
0x27d: {  	[sflag:s0] =	ssyncadd.tile.s32 @!p0 $0x1;
	_ =	shalt  }
.Lfunc_end2:
_tile_overlayer_lowered:
.L_overlay_start_2:
0x27e: {  	(tag) =	ssettag $0x2  }
0x27f: {  	s0 =	rddreg [dreg:$0x0];
	s2 =	stileid.u32  }
0x280: {  	s1 =	rddreg [dreg:$0x1];
	p0 =	sne.s32 s2, $0x0  }
0x281: {  	s3 =	rddreg [dreg:$0x2];
	[bflag:$0x3] =	sbarrier.arrive $0xFFFF;
	s2 =	simm.s32 @!p0 $0x1C03  }
0x282: {  	[timem:s3], [sflag:s2] =	dma.local @!p0 [hbm:s0], s1  }
0x283: {  	s0 =	simm.s32 @!p0 $0x3  }
0x284: {  	_ =	swait.ge @!p0 [sflag:s0], s1  }
0x285: {  	s1 =	ssub.s32 @!p0 $0x0, s1;
	[sflag:s0] =	ssyncset.done @!p0 $0x0  }
0x286: {  	[sflag:s0] =	ssyncadd.s32 @!p0 s1  }
0x287: {  	[bflag:$0x3] =	sbarrier.arrive $0xFFFF  }
0x288: {  	_ =	shalt  }

// kernel: kernel.9.cloned.1.call-start
scs
__scs_entry_jumppad:
0x0: {  	(pc) =	sbr.rel $0x88, $3  }
0x1: {  	(tag) =	ssettag $0x0;
	lr =	simm.s32 $0x1  }
0x2: {  	[smem:$0x3F9B] =	sst lr;
	_ =	strace $0xD0000000  }
0x3: {  	_ = 	snop  }
0x4: {  	_ = 	snop  }
0x5: {  	_ = 	snop  }
0x6: {  	_ = 	snop  }
0x7: {  	_ = 	snop  }
__scs_overlays_trampoline_lowered:
0x8: {  	[smem:$0x3FAA] =	sst s0  }
0x9: {  	[smem:$0x3FAB] =	sst s1  }
0xa: {  	[smem:$0x3FAC] =	sst s2  }
0xb: {  	[smem:$0x3FAD] =	sst s3  }
0xc: {  	[smem:$0x3FAE] =	sst s4  }
0xd: {  	[smem:$0x3FAF] =	sst s5  }
0xe: {  	[smem:$0x3FB0] =	sst s6  }
0xf: {  	[smem:$0x3FB1] =	sst s7  }
0x10: {  	[smem:$0x3FB2] =	sst s8  }
0x11: {  	[smem:$0x3FB3] =	sst s9;
	s0 =	simm.s32 @!p0 $0x0  }
0x12: {  	s1 =	sld [smem:$0x3F99];
	s0 =	simm.s32 @p0 $0x1  }
0x13: {  	[smem:$0x3FB4] =	sst s0;
	s0 =	simm.s32 @!p1 $0x0  }
0x14: {  	s2 =	sld [smem:$0x3F98];
	s0 =	simm.s32 @p1 $0x1  }
0x15: {  	[smem:$0x3FB5] =	sst s0;
	s0 =	simm.s32 @!p2 $0x0  }
0x16: {  	s3 =	sld [smem:$0x3FDB];
	s0 =	simm.s32 @p2 $0x1  }
0x17: {  	s4 =	simm.s32 $0x1BF5;
	[smem:$0x3FB7] =	sst s0  }
0x18: {  	s0 =	sld [smem:$0x3F9A];
	_ =	swait.ge [sflag:s4], $0x0  }
0x19: {  	s7 =	sld [smem:$0x3F9B]  }
0x1a: {  	s8 =	sadd.s32 $0xFFFFE003, lr  }
0x1b: {  	s9 =	sadd.s32 $0xFFFFFEF7, lr;
	s5 =	simm.s32 $0xFFFFFFFF;
	p2 =	slt.u32 s8, $0xFFFFF086  }
0x1c: {  	p1 =	slt.u32 s9, $0xF7A;
	s5 =	simm.s32 @!p2 $0x0  }
0x1d: {  	s5 =	simm.s32 @p1 $0x1;
	p0 =	seq.s32 s7, s2  }
0x1e: {  	s7 =	smul.u32 @!p0 $0xF7A, s2;
	p2 =	seq.s32 @!p0 s5, $0x0  }
0x1f: {  	s9 =	smul.u32 $0xF7A, s1;
	s8 =	simm.s32 @!p0 $0x1BF5;
	p2 =	por !p2, p0  }
0x20: {  	[sflag:s8] =	ssyncset.s32 @!p0 $0xFFFFF086;
	s6 =	sadd.s32 @!p0 s3, s7;
	s7 =	simm.s32 @!p0 $0x108  }
0x21: {  	s3 =	sadd.s32 s3, s9;
	s6 =	sadd.s32 @!p0 $0x88, s6;
	s7 =	simm.s32 @p2 $0x1082  }
0x22: {  	[simem:s7], [sflag:s8] =	dma.local @!p0 [hbm:s6], $0xF7A  }
0x23: {  	s9 =	sor.u32 $0xD0000000, s2;
	s6 =	simm.s32 $0x108;
	_ =	swait.ge @!p0 [sflag:s8], $0x0  }
0x24: {  	s3 =	sadd.s32 $0x88, s3;
	s6 =	simm.s32 @!p1 $0x1082;
	[sflag:s4] =	ssyncset.s32 $0xFFFFF086  }
0x25: {  	[simem:s6], [sflag:s4] =	dma.local [hbm:s3], $0xF7A  }
0x26: {  	[smem:$0x3F9B] =	sst s1;
	(tag) =	ssettag s2;
	_ =	strace s9  }
0x27: {  	s1 =	sld [smem:$0x3FAB]  }
0x28: {  	s2 =	sld [smem:$0x3FAC]  }
0x29: {  	s4 =	sld [smem:$0x3FAE]  }
0x2a: {  	p0 =	seq.s32 s5, $0x0;
	s5 =	sld [smem:$0x3FAF]  }
0x2b: {  	s6 =	sld [smem:$0x3FB0]  }
0x2c: {  	s7 =	sld [smem:$0x3FB1]  }
0x2d: {  	s3 =	simm.s32 $0x108;
	s8 =	sld [smem:$0x3FB2]  }
0x2e: {  	s3 =	simm.s32 @!p0 $0x1082;
	s9 =	sld [smem:$0x3FB3]  }
0x2f: {  	lr =	sadd.s32 s0, s3;
	s0 =	sld [smem:$0x3FAA]  }
0x30: {  	s3 =	sld [smem:$0x3FAD]  }
0x31: {  	[smem:$0x3FB6] =	sst s10  }
0x32: {  	s10 =	sld [smem:$0x3FB4];
	_ =	sdelay $0x3  }
0x33: {  	p0 =	seq.s32 s10, $0x1;
	s10 =	sld [smem:$0x3FB6];
	_ =	sdelay $0x3  }
0x34: {  	[smem:$0x3FB6] =	sst s10  }
0x35: {  	s10 =	sld [smem:$0x3FB5];
	_ =	sdelay $0x3  }
0x36: {  	p1 =	seq.s32 s10, $0x1;
	s10 =	sld [smem:$0x3FB6];
	_ =	sdelay $0x3  }
0x37: {  	[smem:$0x3FB6] =	sst s10  }
0x38: {  	s10 =	sld [smem:$0x3FB7]  }
0x39: {  	_ = 	snop;
	(pc) =	sbr.ind lr, $3  }
0x3a: {  	_ = 	snop  }
0x3b: {  	_ = 	snop  }
0x3c: {  	p2 =	seq.s32 s10, $0x1;
	s10 =	sld [smem:$0x3FB6]  }
0x3d: {  	_ =	shalt  }
0x3e: {  	_ =	shalt  }
0x3f: {  	_ =	shalt  }
0x40: {  	_ =	shalt  }
0x41: {  	_ =	shalt  }
0x42: {  	_ =	shalt  }
0x43: {  	_ =	shalt  }
0x44: {  	_ =	shalt  }
0x45: {  	_ =	shalt  }
0x46: {  	_ =	shalt  }
0x47: {  	_ =	shalt  }
0x48: {  	_ =	shalt  }
0x49: {  	_ =	shalt  }
0x4a: {  	_ =	shalt  }
0x4b: {  	_ =	shalt  }
0x4c: {  	_ =	shalt  }
0x4d: {  	_ =	shalt  }
0x4e: {  	_ =	shalt  }
0x4f: {  	_ =	shalt  }
0x50: {  	_ =	shalt  }
0x51: {  	_ =	shalt  }
0x52: {  	_ =	shalt  }
0x53: {  	_ =	shalt  }
0x54: {  	_ =	shalt  }
0x55: {  	_ =	shalt  }
0x56: {  	_ =	shalt  }
0x57: {  	_ =	shalt  }
0x58: {  	_ =	shalt  }
0x59: {  	_ =	shalt  }
0x5a: {  	_ =	shalt  }
0x5b: {  	_ =	shalt  }
0x5c: {  	_ =	shalt  }
0x5d: {  	_ =	shalt  }
0x5e: {  	_ =	shalt  }
0x5f: {  	_ =	shalt  }
0x60: {  	_ =	shalt  }
0x61: {  	_ =	shalt  }
0x62: {  	_ =	shalt  }
0x63: {  	_ =	shalt  }
0x64: {  	_ =	shalt  }
0x65: {  	_ =	shalt  }
0x66: {  	_ =	shalt  }
0x67: {  	_ =	shalt  }
0x68: {  	_ =	shalt  }
0x69: {  	_ =	shalt  }
0x6a: {  	_ =	shalt  }
0x6b: {  	_ =	shalt  }
0x6c: {  	_ =	shalt  }
0x6d: {  	_ =	shalt  }
0x6e: {  	_ =	shalt  }
0x6f: {  	_ =	shalt  }
0x70: {  	_ =	shalt  }
0x71: {  	_ =	shalt  }
0x72: {  	_ =	shalt  }
0x73: {  	_ =	shalt  }
0x74: {  	_ =	shalt  }
0x75: {  	_ =	shalt  }
0x76: {  	_ =	shalt  }
0x77: {  	_ =	shalt  }
0x78: {  	_ =	shalt  }
0x79: {  	_ =	shalt  }
0x7a: {  	_ =	shalt  }
0x7b: {  	_ =	shalt  }
0x7c: {  	_ =	shalt  }
0x7d: {  	_ =	shalt  }
0x7e: {  	_ =	shalt  }
0x7f: {  	_ =	shalt  }
0x80: {  	_ =	shalt  }
0x81: {  	_ =	shalt  }
0x82: {  	_ =	shalt  }
0x83: {  	_ =	shalt  }
0x84: {  	_ =	shalt  }
0x85: {  	_ =	shalt  }
0x86: {  	_ =	shalt  }
0x87: {  	_ =	shalt  }
.Lfunc_end0:
.L_simem_size_0:
called_computation.1_lowered:
.L_overlay_start_0:
0x88: {  	s2 =	sld [smem:$0x3FD9]  }
0x89: {  	s3 =	sld [smem:$0x3FFE];
	_ =	sdelay $0x1  }
0x8a: {  	s1 =	srdreg.scid  }
0x8b: {  	s0 =	sand.u32 $0x1, s1  }
0x8c: {  	s17 =	sshll.u32 s0, $0xA;
	s2 =	sadd.s32 s3, s2  }
0x8d: {  	s2 =	sadd.s32 s2, s17  }
0x8e: {  	[smem:$0x3FC2] =	sst s2  }
0x8f: {  	_ = 	snop  }
0x90: {  	(tm) =	ssettm $0x1  }
0x91: {  	s18 =	sld [smem:$0x3FFB];
	_ =	sdelay $0x3  }
0x92: {  	_ =	strace s18  }
0x93: {  	s2 =	sld [smem:$0x3FFC];
	_ =	sdelay $0x3  }
0x94: {  	_ =	strace s2  }
0x95: {  	s2 =	sld [smem:$0x3FFD];
	_ =	sdelay $0x3  }
0x96: {  	_ =	strace s2  }
0x97: {  	_ =	strace $0x8FFFFFFF  }
0x98: {  	s19 =	sld [smem:$0x3FDB];
	_ =	sdelay $0x1  }
0x99: {  	s20 =	simm.s32 $_scs_section_size  }
0x9a: {  	s4 =	simm.s32 $_size__tile_overlayer_lowered;
	s5 =	simm.s32 $_tile_overlayer_lowered  }
0x9b: {  	s6 =	simm.s32 $0x1BFF;
	s21 =	sshll.u32 s5, $0x1;
	s3 =	sadd.s32 s20, s19  }
0x9c: {  	s22 =	simm.s32 $0x0;
	s4 =	sshll.u32 s4, $0x1;
	s5 =	sadd.s32 s21, s3  }
0x9d: {  	[timem:s22], [sflag:s6] =	dma.local [hbm:s5], s4  }
0x9e: {  	_ =	swait.ge [sflag:s6], s4  }
0x9f: {  	s4 =	ssub.s32 $0x0, s4;
	[sflag:s6] =	ssyncset.done $0x0  }
0xa0: {  	[sflag:s6] =	ssyncadd.s32 s4;
	_ =	sdelay $0x1  }
0xa1: {  	s23 =	simm.s32 $0x1B8B  }
0xa2: {  	_ =	swait.ge [sflag:s23], $0x1  }
0xa3: {  	[sflag:s23] =	ssyncset.done $0x0  }
0xa4: {  	[sflag:s23] =	ssyncadd.s32 $0xFFFFFFFF  }
0xa5: {  	s4 =	sld [smem:$0x0]  }
0xa6: {  	s5 =	sand.u32 $0xFFFFFFFE, s1  }
0xa7: {  	p0 =	sne.s32 s1, s5  }
0xa8: {  	s5 =	sshll.u32 @p0 s5, $0xE  }
0xa9: {  	s5 =	sadd.s32 @p0 $0x11B8D, s5;
	s6 =	sshll.u32 @p0 s4, $0x11  }
0xaa: {  	s5 =	sor.u32 @p0 s6, s5  }
0xab: {  	[sflag:s5] =	ssyncadd.remote.s32 @p0 $0x1;
	_ =	sdelay $0x1  }
0xac: {  	s5 =	simm.s32 @p0 $0x1B8D  }
0xad: {  	_ =	swait.eq @p0 [sflag:s5], $0x1  }
0xae: {  	[sflag:s5] =	ssyncadd.s32 @p0 $0xFFFFFFFF  }
0xaf: {  	s6 =	sshll.u32 @!p0 s1, $0xE  }
0xb0: {  	s6 =	sor.u32 @!p0 $0x4000, s6;
	s5 =	simm.s32 @!p0 $0x1B8D  }
0xb1: {  	s4 =	sshll.u32 @!p0 s4, $0x11;
	s6 =	sadd.s32 @!p0 $0x11B8D, s6;
	_ =	swait.eq @!p0 [sflag:s5], $0x1  }
0xb2: {  	s4 =	sor.u32 @!p0 s4, s6;
	[sflag:s5] =	ssyncadd.s32 @!p0 $0xFFFFFFFF  }
0xb3: {  	s25 =	simm.s32 $0x1B8E;
	s24 =	sld [smem:$0x3FFE];
	[sflag:s4] =	ssyncadd.remote.s32 @!p0 $0x1  }
0xb4: {  	s26 =	simm.s32 $execute0_lowered;
	[smem:$0x3FD2] =	sst s25  }
0xb5: {  	s5 =	sshll.u32 s26, $0x1;
	_ =	strace $0x80000049;
	[dreg:$0x1] =	wrdreg $0xFFFFFFFF  }
0xb6: {  	s28 =	simm.s32 $_size_execute0_lowered;
	s3 =	sadd.s32 s3, s5;
	[dreg:$0x0] =	wrdreg $0x0  }
0xb7: {  	s5 =	sshll.u32 s28, $0x1;
	[dreg:$0x2] =	wrdreg s3  }
0xb8: {  	[dreg:$0x3] =	wrdreg s5  }
0xb9: {  	[dreg:$0x4] =	wrdreg $0xC0  }
0xba: {  	_ =	task [dreg:s22], $0x5FFFF  }
0xbb: {  	[dreg:$0x1] =	wrdreg $0xFFFFFFFF  }
0xbc: {  	[dreg:$0x0] =	wrdreg $0x60  }
0xbd: {  	[dreg:$0x2] =	wrdreg s24  }
0xbe: {  	[dreg:$0x3] =	wrdreg $0xA  }
0xbf: {  	_ =	task.clear_ibuf [dreg:s22], $0x4FFFF;
	_ =	strace $0x90000049  }
0xc0: {  	s29 =	simm.s32 $0xA;
	_ =	strace $0x8000004B  }
0xc1: {  	_ =	swait.ge [sflag:s29], $0x1  }
0xc2: {  	[sflag:s29] =	ssyncadd.s32 $0xFFFFFFFF  }
0xc3: {  	_ =	strace $0x9000004B  }
0xc4: {  	_ =	sfence  }
0xc5: {  	s30 =	sld [smem:$0x0];
	_ =	sdelay $0x2  }
0xc6: {  	s31 =	sshll.u32 s1, $0xD;
	s1 =	sshrl.u32 s1, $0x2  }
0xc7: {  	s4 =	sand.u32 $0x4000, s31;
	s1 =	sadd.s32 s1, s30  }
0xc8: {  	s0 =	sor.u32 s4, s0;
	s1 =	sshll.u32 s1, $0x11  }
0xc9: {  	s0 =	sor.u32 s1, s0  }
0xca: {  	s0 =	sadd.s32 $0x8F2B, s0  }
0xcb: {  	[sflag:s0] =	ssyncadd.remote.s32 $0x1  }
0xcc: {  	_ =	sfence.sel $0xFFFF  }
0xcd: {  	[dreg:$0x0] =	wrdreg $0xFFFFFFFF;
	(pc) =	sbr.abs _section_cstart, $3  }
0xce: {  	[dreg:$0x1] =	wrdreg $0xFFFFFFFF  }
0xcf: {  	_ =	task.clear_ibuf [dreg:s22], $0x2FFFF;
	_ =	strace $0x9FFFFFFF  }
0xd0: {  	(tm) =	ssettm $0x7FFFFFFF  }
0xd1: {  	_ =	shalt  }
tec
execute0_lowered:
.L_overlay_start_1:
0x0: {  	(tag) =	ssettag $0x1  }
0x1: {  	s0 =	srdreg.scid  }
0x2: {  	s10 =	rddreg [dreg:$0x0];
	s16 =	sand.u32 $0x1, s0  }
0x3: {  	s1 =	stileid.u32;
	s2 =	simm.s32 $0x0;
	s3 =	sshll.u32 s16, $0x6  }
0x4: {  	s0 =	rddreg [dreg:$0x1];
	s4 =	sshll.u32 s1, $0x7;
	s3 =	sadd.s32 s3, s10  }
0x5: {  	[smem:$0x7FF] =	sst s2;
	s3 =	sadd.s32 s4, s3  }
0x6: {  	_ =	strace $0x8000004A;
	s4 =	simm.s32 $0x3;
	s3 =	sadd.s32 $0xC00, s3  }
0x7: {  	[tilespmem:s2], [sflag:$0x3] =	stream.linear.gather [hbm4b:s3+s2], $0x200, $0x38;
	[tilespmem:$0x8200] =	vst v63  }
0x8: {  	_ =	swait.ge [sflag:s4], $0x200  }
0x9: {  	s6 =	simm.s32 $0x80;
	s7 =	simm.s32 $0x200;
	[sflag:s4] =	ssyncset.done $0x0  }
0xa: {  	s8 =	simm.s32 $0x4200;
	s5 =	sadd.s32 $0x2FFF600, s10;
	[sflag:s4] =	ssyncadd.s32 $0xFFFFFE00  }
0xb: {  	[tilespmem:s7], [sflag:$0x1] =	stream.indirect.gather [hbm4b:s5+s6], $0x80, s2, s6, $0xb8;
	[tilespmem:$0x8200] =	vst v63  }
0xc: {  	s9 =	simm.s32 $0x1;
	s11 =	sshll.u32 s1, $0xE;
	s12 =	sshll.u32 s16, $0xD  }
0xd: {  	[tilespmem:s8], [sflag:$0x1] =	stream.indirect.gather [hbm4b:s5+s6], $0x80, s6, s6, $0xb8;
	[tilespmem:$0x8200] =	vst v63  }
0xe: {  	s11 =	sor.u32 s12, s11;
	_ =	swait.ge [sflag:s9], $0x4000  }
0xf: {  	s17 =	sadd.s32 s11, s10;
	[sflag:s9] =	ssyncset.done $0x0  }
0x10: {  	s10 =	simm.s32 $0x2;
	s11 =	sadd.s32 $0x104400, s17;
	[sflag:s9] =	ssyncadd.s32 $0xFFFFC000  }
0x11: {  	[hbm4b:s11+s2] =	stream.linear.scatter [tilespmem:s7], [sflag:$0x2], $0x4000, $0x38;
	[tilespmem:$0x8200] =	vst v63  }
0x12: {  	_ =	swait.ge [sflag:s10], $0x4000  }
0x13: {  	[sflag:s10] =	ssyncset.done $0x0  }
0x14: {  	s12 =	simm.s32 $0x100;
	[sflag:s10] =	ssyncadd.s32 $0xFFFFC000  }
0x15: {  	[tilespmem:s7], [sflag:$0x1] =	stream.indirect.gather [hbm4b:s5+s6], $0x80, s12, s6, $0xb8;
	[tilespmem:$0x8200] =	vst v63  }
0x16: {  	_ =	swait.ge [sflag:s9], $0x4000  }
0x17: {  	[sflag:s9] =	ssyncset.done $0x0  }
0x18: {  	s13 =	sadd.s32 $0x104C00, s17;
	[sflag:s9] =	ssyncadd.s32 $0xFFFFC000  }
0x19: {  	[hbm4b:s13+s2] =	stream.linear.scatter [tilespmem:s8], [sflag:$0x2], $0x4000, $0x38;
	[tilespmem:$0x8200] =	vst v63  }
0x1a: {  	_ =	swait.ge [sflag:s10], $0x4000  }
0x1b: {  	[sflag:s10] =	ssyncset.done $0x0  }
0x1c: {  	s14 =	simm.s32 $0x180;
	[sflag:s10] =	ssyncadd.s32 $0xFFFFC000  }
0x1d: {  	[tilespmem:s8], [sflag:$0x1] =	stream.indirect.gather [hbm4b:s5+s6], $0x80, s14, s6, $0xb8;
	[tilespmem:$0x8200] =	vst v63  }
0x1e: {  	_ =	swait.ge [sflag:s9], $0x4000  }
0x1f: {  	s18 =	ssub.s32 $0x2, s16;
	[sflag:s9] =	ssyncset.done $0x0  }
0x20: {  	s31 =	sshrl.u32 s18, $0x1;
	s15 =	sadd.s32 $0x105400, s17;
	[sflag:s9] =	ssyncadd.s32 $0xFFFFC000  }
0x21: {  	[hbm4b:s15+s2] =	stream.linear.scatter [tilespmem:s7], [sflag:$0x2], $0x4000, $0x38;
	[tilespmem:$0x8200] =	vst v63  }
0x22: {  	s16 =	sadd.s32 $0x105C00, s17;
	s17 =	ssub.s32 s18, s31;
	_ =	swait.ge [sflag:s9], $0x4000  }
0x23: {  	s17 =	smax.u32 s17, $0x1;
	[sflag:s9] =	ssyncset.done $0x0  }
0x24: {  	p0 =	sne.s32 s17, $0x1;
	[sflag:s9] =	ssyncadd.s32 $0xFFFFC000  }
0x25: {  	[hbm4b:s16+s2] =	stream.linear.scatter [tilespmem:s8], [sflag:$0x3], $0x4000, $0x38;
	[tilespmem:$0x8200] =	vst v63  }
.Ltmp0:
0x26: {  	_ =	swait.ge [sflag:s4], $0x4000;
	(pc) =	sbr.rel @!p0 .LBB2_2-.Ltmp0, $4  }
0x27: {  	[sflag:s4] =	ssyncset.done $0x0  }
0x28: {  	[sflag:s4] =	ssyncadd.s32 $0xFFFFC000  }
0x29: {  	_ =	swait.ge [sflag:s10], $0x4000  }
0x2a: {  	s17 =	sadd.s32 $0xFFFFFFFF, s17;
	[sflag:s10] =	ssyncset.done $0x0  }
.LBB2_1:
0x2b: {  	p0 =	sne.s32 s17, $0x1;
	s17 =	sadd.s32 $0xFFFFFFFF, s17;
	[sflag:s10] =	ssyncadd.s32 $0xFFFFC000  }
0x2c: {  	[tilespmem:s2], [sflag:$0x3] =	stream.linear.gather [hbm4b:s3+s2], $0x200, $0x38;
	[tilespmem:$0x8200] =	vst v63  }
0x2d: {  	_ =	swait.ge [sflag:s4], $0x200  }
0x2e: {  	[sflag:s4] =	ssyncset.done $0x0  }
0x2f: {  	[sflag:s4] =	ssyncadd.s32 $0xFFFFFE00  }
0x30: {  	[tilespmem:s7], [sflag:$0x1] =	stream.indirect.gather [hbm4b:s5+s6], $0x80, s2, s6, $0xb8;
	[tilespmem:$0x8200] =	vst v63  }
0x31: {  	_ = 	snop  }
0x32: {  	[tilespmem:s8], [sflag:$0x1] =	stream.indirect.gather [hbm4b:s5+s6], $0x80, s6, s6, $0xb8;
	[tilespmem:$0x8200] =	vst v63  }
0x33: {  	_ =	swait.ge [sflag:s9], $0x4000  }
0x34: {  	[sflag:s9] =	ssyncset.done $0x0  }
0x35: {  	[sflag:s9] =	ssyncadd.s32 $0xFFFFC000  }
0x36: {  	[hbm4b:s11+s2] =	stream.linear.scatter [tilespmem:s7], [sflag:$0x2], $0x4000, $0x38;
	[tilespmem:$0x8200] =	vst v63  }
0x37: {  	_ =	swait.ge [sflag:s10], $0x4000  }
0x38: {  	[sflag:s10] =	ssyncset.done $0x0  }
0x39: {  	[sflag:s10] =	ssyncadd.s32 $0xFFFFC000  }
0x3a: {  	[tilespmem:s7], [sflag:$0x1] =	stream.indirect.gather [hbm4b:s5+s6], $0x80, s12, s6, $0xb8;
	[tilespmem:$0x8200] =	vst v63  }
0x3b: {  	_ =	swait.ge [sflag:s9], $0x4000  }
0x3c: {  	[sflag:s9] =	ssyncset.done $0x0  }
0x3d: {  	[sflag:s9] =	ssyncadd.s32 $0xFFFFC000  }
0x3e: {  	[hbm4b:s13+s2] =	stream.linear.scatter [tilespmem:s8], [sflag:$0x2], $0x4000, $0x38;
	[tilespmem:$0x8200] =	vst v63  }
0x3f: {  	_ =	swait.ge [sflag:s10], $0x4000  }
0x40: {  	[sflag:s10] =	ssyncset.done $0x0  }
0x41: {  	[sflag:s10] =	ssyncadd.s32 $0xFFFFC000  }
0x42: {  	[tilespmem:s8], [sflag:$0x1] =	stream.indirect.gather [hbm4b:s5+s6], $0x80, s14, s6, $0xb8;
	[tilespmem:$0x8200] =	vst v63  }
0x43: {  	_ =	swait.ge [sflag:s9], $0x4000  }
0x44: {  	[sflag:s9] =	ssyncset.done $0x0  }
0x45: {  	[sflag:s9] =	ssyncadd.s32 $0xFFFFC000  }
0x46: {  	[hbm4b:s15+s2] =	stream.linear.scatter [tilespmem:s7], [sflag:$0x2], $0x4000, $0x38;
	[tilespmem:$0x8200] =	vst v63  }
0x47: {  	_ =	swait.ge [sflag:s9], $0x4000  }
0x48: {  	[sflag:s9] =	ssyncset.done $0x0  }
0x49: {  	[sflag:s9] =	ssyncadd.s32 $0xFFFFC000  }
0x4a: {  	[hbm4b:s16+s2] =	stream.linear.scatter [tilespmem:s8], [sflag:$0x3], $0x4000, $0x38;
	[tilespmem:$0x8200] =	vst v63  }
.Ltmp1:
0x4b: {  	_ =	swait.ge [sflag:s4], $0x4000;
	(pc) =	sbr.rel @p0 .LBB2_1-.Ltmp1, $4  }
0x4c: {  	[sflag:s4] =	ssyncset.done $0x0  }
0x4d: {  	[sflag:s4] =	ssyncadd.s32 $0xFFFFC000  }
0x4e: {  	_ =	swait.ge [sflag:s10], $0x4000  }
0x4f: {  	[sflag:s10] =	ssyncset.done $0x0  }
.LBB2_2:
0x50: {  	[sflag:s10] =	ssyncadd.s32 $0xFFFFC000  }
0x51: {  	_ =	sfence.sel $0x180000  }
0x52: {  	[bflag:$0x0] =	sbarrier.arrive $0xFFFF  }
0x53: {  	p0 =	sne.s32 s1, $0x0;
	_ =	strace $0x9000004A  }
0x54: {  	s0 =	sadd.s32 @!p0 $0x100000, s0;
	[bflag:$0x2] =	sbarrier.arrive $0xFFFF  }
0x55: {  	[sflag:s0] =	ssyncadd.tile.s32 @!p0 $0x1;
	_ =	shalt  }
.Lfunc_end2:
_tile_overlayer_lowered:
.L_overlay_start_2:
0x56: {  	(tag) =	ssettag $0x2  }
0x57: {  	s0 =	rddreg [dreg:$0x0];
	s2 =	stileid.u32  }
0x58: {  	s1 =	rddreg [dreg:$0x1];
	p0 =	sne.s32 s2, $0x0  }
0x59: {  	s3 =	rddreg [dreg:$0x2];
	[bflag:$0x3] =	sbarrier.arrive $0xFFFF;
	s2 =	simm.s32 @!p0 $0x1C03  }
0x5a: {  	[timem:s3], [sflag:s2] =	dma.local @!p0 [hbm:s0], s1  }
0x5b: {  	s0 =	simm.s32 @!p0 $0x3  }
0x5c: {  	_ =	swait.ge @!p0 [sflag:s0], s1  }
0x5d: {  	s1 =	ssub.s32 @!p0 $0x0, s1;
	[sflag:s0] =	ssyncset.done @!p0 $0x0  }
0x5e: {  	[sflag:s0] =	ssyncadd.s32 @!p0 s1  }
0x5f: {  	[bflag:$0x3] =	sbarrier.arrive $0xFFFF  }
0x60: {  	_ =	shalt  }

</sc_bundles>
